<compile_context>
chip_gen: v7x
topology: tpu7x:2x2x1
jax: 0.10.2.dev20260603
libtpu: 0.0.44.dev20260713+nightly
codegen_flags: <defaults>
</compile_context>

<pallas_src>
import functools

import jax
import jax.numpy as jnp
from jax import lax
from jax.experimental import pallas as pl
from jax.experimental.pallas import tpu as pltpu
from jax.experimental.pallas import tpu_sc as plsc

N_VOCAB = 100000
B_TOK = 4
SEQ = 4096
D_MODEL = 1024
N_TOTAL = B_TOK * SEQ
FRAG = 128
FPR = D_MODEL // FRAG

NUM_CORES = 2
NUM_SUBCORES = 16
NW = NUM_CORES * NUM_SUBCORES
BPW = N_TOTAL // NW
NFRAG = BPW * FPR
FCHUNK = 128
NCHUNK = NFRAG // FCHUNK
NPAIR = BPW // 16

_mesh = plsc.VectorSubcoreMesh(core_axis_name="c", subcore_axis_name="s")


@functools.partial(
    pl.kernel,
    out_type=jax.ShapeDtypeStruct((N_TOTAL * FPR, FRAG), jnp.float32),
    mesh=_mesh,
    compiler_params=pltpu.CompilerParams(
        needs_layout_passes=False, skip_device_barrier=True),
    scratch_types=[
        pltpu.VMEM((BPW // 128, 128), jnp.int32),
        pltpu.VMEM((NFRAG,), jnp.int32),
        pltpu.VMEM((FCHUNK, FRAG), jnp.float32),
        pltpu.VMEM((FCHUNK, FRAG), jnp.float32),
        pltpu.VMEM((FCHUNK, FRAG), jnp.float32),
        pltpu.VMEM((FCHUNK, FRAG), jnp.float32),
        pltpu.VMEM((FCHUNK, FRAG), jnp.float32),
        pltpu.VMEM((FCHUNK, FRAG), jnp.float32),
        pltpu.SemaphoreType.DMA,
        pltpu.SemaphoreType.DMA,
        pltpu.SemaphoreType.DMA,
        pltpu.SemaphoreType.DMA,
        pltpu.SemaphoreType.DMA,
        pltpu.SemaphoreType.DMA,
        pltpu.SemaphoreType.DMA,
        pltpu.SemaphoreType.DMA,
        pltpu.SemaphoreType.DMA,
        pltpu.SemaphoreType.DMA,
        pltpu.SemaphoreType.DMA,
        pltpu.SemaphoreType.DMA,
    ],
)
def _emb_lookup(idx_hbm, tbl_hbm, out_hbm, idx_v, fidx_v,
                buf0, buf1, buf2, buf3, buf4, buf5,
                gsem0, gsem1, gsem2, gsem3, gsem4, gsem5,
                ssem0, ssem1, ssem2, ssem3, ssem4, ssem5):
    wid = lax.axis_index("s") * NUM_CORES + lax.axis_index("c")
    fbase = wid * NFRAG

    pltpu.sync_copy(idx_hbm.at[pl.ds(wid * (BPW // 128), BPW // 128)], idx_v)

    lane = lax.iota(jnp.int32, 16)
    colbase = lane % 8 + jnp.where(lane >= 8, 64, 0)

    def build_pair(p, carry=0):
        ids = idx_v[p // 8, pl.ds(p % 8 * 16, 16)]
        pos = p * FCHUNK + colbase
        for t in range(FPR):
            plsc.store_scatter(fidx_v, [pos + t * 8], ids * FPR + t)
        return carry

    bufs = (buf0, buf1, buf2, buf3, buf4, buf5)
    gsems = (gsem0, gsem1, gsem2, gsem3, gsem4, gsem5)
    ssems = (ssem0, ssem1, ssem2, ssem3, ssem4, ssem5)
    NBUF = 6
    AHEAD = 4

    def gather(i):
        b = i % NBUF
        return pltpu.make_async_copy(
            tbl_hbm.at[fidx_v.at[pl.ds(i * FCHUNK, FCHUNK)]], bufs[b], gsems[b])

    def scatter(i):
        b = i % NBUF
        return pltpu.make_async_copy(
            bufs[b], out_hbm.at[pl.ds(fbase + i * FCHUNK, FCHUNK)], ssems[b])

    for i in range(AHEAD):
        build_pair(i)
        gather(i).start()
    lax.fori_loop(AHEAD, NPAIR, build_pair, 0)
    for i in range(NCHUNK):
        gather(i).wait()
        scatter(i).start()
        j = i + AHEAD
        if j < NCHUNK:
            if j >= NBUF:
                scatter(j - NBUF).wait()
            gather(j).start()
    for i in range(NCHUNK - NBUF, NCHUNK):
        scatter(i).wait()


def kernel(x, w_e):
    idx = x.reshape(128, 128)
    frags = _emb_lookup(idx, w_e.reshape(N_VOCAB * FPR, FRAG))
    return (frags.reshape(N_TOTAL // 8, FPR, 8, FRAG)
                 .transpose(0, 2, 1, 3)
                 .reshape(B_TOK, SEQ, D_MODEL))

# --- scband reference (transcript-rebuilt; emitter-appended) ---
"""Pipeline reference for scband-embedding-69544110457461 (READ-ONLY COPY).

The authoritative reference and input builder live on the scoring server;
editing this copy changes nothing except your own understanding.
"""

import jax, jax.numpy as jnp
import numpy as np

N_VOCAB = 100000
D_MODEL = 1024
BATCH = 4
SEQ = 4096


def setup_inputs(seed: int = 0) -> dict:
    key = jax.random.key(seed)
    k_x, k_w = jax.random.split(key)
    x = jax.random.randint(k_x, (BATCH, SEQ), 0, N_VOCAB, dtype=jnp.int64 if jax.config.read('jax_enable_x64') else jnp.int32)
    # param w_e has shape (V, I=1, M) with trunc-normal init, stddev = shape[-2]**-0.5 = 1.0
    w_e = jax.random.truncated_normal(k_w, -3.0, 3.0, (N_VOCAB, 1, D_MODEL), dtype=jnp.float32) * (1 ** -0.5)
    return {"x": x, "w_e": w_e}


def reference(x, w_e):
    # Faithful translation of Embedding.__call__
    # w_e: (V, 1, M) -> squeeze(1) -> (V, M) -> [None, ...] -> (1, V, M)
    table = w_e.squeeze(1).astype(jnp.float32)[None, ...]
    # x: (B, S) -> (B, S, 1); gather along axis=1 with broadcasting -> (B, S, M)
    out = jnp.take_along_axis(table, x[..., None], axis=1)
    return out

if __name__ == "__main__":
    import jax
    _d = setup_inputs()
    print(jax.jit(kernel)(*tuple(_d.values())))

</pallas_src>

<mosaic_0001>
#map = affine_map<(d0, d1) -> (0, 0)>
module attributes {stable_mosaic.version = 14 : i64} {
  func.func @_emb_lookup(%arg0: i32, %arg1: i32, %arg2: memref<128x128xi32, #tpu.memory_space<hbm>>, %arg3: memref<800000x128xf32, #tpu.memory_space<hbm>>, %arg4: memref<131072x128xf32, #tpu.memory_space<hbm>>, %arg5: memref<4x128xi32, #tpu.memory_space<vmem>>, %arg6: memref<4096xi32, #tpu.memory_space<vmem>>, %arg7: memref<128x128xf32, #tpu.memory_space<vmem>>, %arg8: memref<128x128xf32, #tpu.memory_space<vmem>>, %arg9: memref<128x128xf32, #tpu.memory_space<vmem>>, %arg10: memref<128x128xf32, #tpu.memory_space<vmem>>, %arg11: memref<128x128xf32, #tpu.memory_space<vmem>>, %arg12: memref<128x128xf32, #tpu.memory_space<vmem>>, %arg13: memref<!tpu.dma_semaphore, #tpu.memory_space<semaphore_mem>>, %arg14: memref<!tpu.dma_semaphore, #tpu.memory_space<semaphore_mem>>, %arg15: memref<!tpu.dma_semaphore, #tpu.memory_space<semaphore_mem>>, %arg16: memref<!tpu.dma_semaphore, #tpu.memory_space<semaphore_mem>>, %arg17: memref<!tpu.dma_semaphore, #tpu.memory_space<semaphore_mem>>, %arg18: memref<!tpu.dma_semaphore, #tpu.memory_space<semaphore_mem>>, %arg19: memref<!tpu.dma_semaphore, #tpu.memory_space<semaphore_mem>>, %arg20: memref<!tpu.dma_semaphore, #tpu.memory_space<semaphore_mem>>, %arg21: memref<!tpu.dma_semaphore, #tpu.memory_space<semaphore_mem>>, %arg22: memref<!tpu.dma_semaphore, #tpu.memory_space<semaphore_mem>>, %arg23: memref<!tpu.dma_semaphore, #tpu.memory_space<semaphore_mem>>, %arg24: memref<!tpu.dma_semaphore, #tpu.memory_space<semaphore_mem>>) attributes {dimension_semantics = [#tpu.dimension_semantics<core_parallel>, #tpu.dimension_semantics<subcore_parallel>], iteration_bounds = array<i64: 2, 16>, scalar_prefetch = 0 : i64, scratch_operands = 20 : i64, tpu.core_type = #tpu.core_type<sc_vector_subcore>, window_params = [{transform_indices = #map}, {transform_indices = #map}, {transform_indices = #map}]} {
    %mul3A = arith.constant 2 : i32
    %mul3A_0 = arith.muli %arg1, %mul3A : i32
    %add3A = arith.addi %mul3A_0, %arg0 : i32
    %mul3A_1 = arith.constant 4096 : i32
    %mul3A_2 = arith.muli %add3A, %mul3A_1 : i32
    %mul3A_3 = arith.constant 4 : i32
    %mul3A_4 = arith.muli %add3A, %mul3A_3 : i32
    "tpu.region"() ({
      %run_scoped3A = tpu.sem_alloc : memref<!tpu.dma_semaphore, #tpu.memory_space<semaphore_mem>>
      %dma_start3A_1049 = arith.constant 0 : i32
      %dma_start3A_1050 = tpu.memref_slice %arg2[%mul3A_4, %dma_start3A_1049] : memref<128x128xi32, #tpu.memory_space<hbm>> -> memref<4x128xi32, #tpu.memory_space<hbm>>
      %dma_start3A_1051 = arith.constant 0 : i32
      %dma_start3A_1052 = tpu.memref_slice %arg2[%mul3A_4, %dma_start3A_1051] : memref<128x128xi32, #tpu.memory_space<hbm>> -> memref<4x128xi32, #tpu.memory_space<hbm>>
      tpu.enqueue_dma source(%dma_start3A_1052 : memref<4x128xi32, #tpu.memory_space<hbm>>) target(%arg5 : memref<4x128xi32, #tpu.memory_space<vmem>>) target_semaphore(%run_scoped3A : memref<!tpu.dma_semaphore, #tpu.memory_space<semaphore_mem>>)
      %dma_wait3A_1053 = arith.constant 0 : i32
      %dma_wait3A_1054 = tpu.memref_slice %arg2[%mul3A_4, %dma_wait3A_1053] : memref<128x128xi32, #tpu.memory_space<hbm>> -> memref<4x128xi32, #tpu.memory_space<hbm>>
      %dma_wait3A_1055 = arith.constant 0 : i32
      %dma_wait3A_1056 = tpu.memref_slice %arg2[%mul3A_4, %dma_wait3A_1055] : memref<128x128xi32, #tpu.memory_space<hbm>> -> memref<4x128xi32, #tpu.memory_space<hbm>>
      tpu.wait_dma2 semaphore(%run_scoped3A : memref<!tpu.dma_semaphore, #tpu.memory_space<semaphore_mem>>) src(%dma_wait3A_1056 : memref<4x128xi32, #tpu.memory_space<hbm>>) dst(%arg5 : memref<4x128xi32, #tpu.memory_space<vmem>>)
      tpu.yield
    }) : () -> ()
    %iota3A = tpu.iota {dimensions = array<i32: 0>} : vector<16xi32>
    %jit3A = arith.constant 8 : i32
    %eq3A = arith.constant 0 : i32
    %eq3A_5 = arith.cmpi eq, %jit3A, %eq3A : i32
    %jit3A_6 = arith.constant 1 : i32
    %select_n3A = arith.select %eq3A_5, %jit3A_6, %jit3A : i32
    %rem3A = vector.broadcast %select_n3A : i32 to vector<16xi32>
    %rem3A_7 = arith.remsi %iota3A, %rem3A : vector<16xi32>
    %ne3A = arith.constant 0 : i32
    %ne3A_8 = vector.broadcast %ne3A : i32 to vector<16xi32>
    %ne3A_9 = arith.cmpi ne, %rem3A_7, %ne3A_8 : vector<16xi32>
    %lt3A = arith.constant 0 : i32
    %lt3A_10 = vector.broadcast %lt3A : i32 to vector<16xi32>
    %lt3A_11 = arith.cmpi slt, %rem3A_7, %lt3A_10 : vector<16xi32>
    %lt3A_12 = arith.constant 0 : i32
    %lt3A_13 = arith.cmpi slt, %select_n3A, %lt3A_12 : i32
    %ne3A_14 = vector.broadcast %lt3A_13 : i1 to vector<16xi1>
    %ne3A_15 = vector.broadcast %ne3A_14 : vector<16xi1> to vector<16xi1>
    %ne3A_16 = arith.xori %lt3A_11, %ne3A_15 : vector<16xi1>
    %and3A = arith.andi %ne3A_16, %ne3A_9 : vector<16xi1>
    %add3A_17 = vector.broadcast %select_n3A : i32 to vector<16xi32>
    %add3A_18 = arith.addi %rem3A_7, %add3A_17 : vector<16xi32>
    %select_n3A_19 = arith.select %and3A, %add3A_18, %rem3A_7 : vector<16xi1>, vector<16xi32>
    %ge3A = arith.constant 8 : i32
    %ge3A_20 = vector.broadcast %ge3A : i32 to vector<16xi32>
    %ge3A_21 = arith.cmpi sge, %iota3A, %ge3A_20 : vector<16xi32>
    %jit3A_22 = arith.constant 64 : i32
    %jit3A_23 = arith.constant 0 : i32
    %broadcast_in_dim3A = vector.broadcast %jit3A_22 : i32 to vector<16xi32>
    %broadcast_in_dim3A_24 = vector.broadcast %jit3A_23 : i32 to vector<16xi32>
    %select_n3A_25 = arith.select %ge3A_21, %broadcast_in_dim3A, %broadcast_in_dim3A_24 : vector<16xi1>, vector<16xi32>
    %add3A_26 = arith.addi %select_n3A_19, %select_n3A_25 : vector<16xi32>
    %get3A = arith.constant 0 : i32
    %get3A_27 = arith.index_cast %get3A : i32 to index
    %get3A_28 = arith.constant 0 : index
    %get3A_29 = tpu.vector_load %arg5[%get3A_27, %get3A_28] {strides = array<i32>} : memref<4x128xi32, #tpu.memory_space<vmem>>, vector<16xi32>,
    %add3A_30 = arith.constant 0 : i32
    %add3A_31 = vector.broadcast %add3A_30 : i32 to vector<16xi32>
    %add3A_32 = arith.addi %add3A_31, %add3A_26 : vector<16xi32>
    %add3A_33 = arith.constant 0 : i32
    %add3A_34 = vector.broadcast %add3A_33 : i32 to vector<16xi32>
    %add3A_35 = arith.addi %add3A_32, %add3A_34 : vector<16xi32>
    %mul3A_36 = arith.constant 8 : i32
    %mul3A_37 = vector.broadcast %mul3A_36 : i32 to vector<16xi32>
    %mul3A_38 = arith.muli %get3A_29, %mul3A_37 : vector<16xi32>
    %add3A_39 = arith.constant 0 : i32
    %add3A_40 = vector.broadcast %add3A_39 : i32 to vector<16xi32>
    %add3A_41 = arith.addi %mul3A_38, %add3A_40 : vector<16xi32>
    tpu.vector_store_idx %arg6[%add3A_35], %add3A_41 : memref<4096xi32, #tpu.memory_space<vmem>>[vector<16xi32>], vector<16xi32>,
    %add3A_42 = arith.constant 8 : i32
    %add3A_43 = vector.broadcast %add3A_42 : i32 to vector<16xi32>
    %add3A_44 = arith.addi %add3A_32, %add3A_43 : vector<16xi32>
    %mul3A_45 = arith.constant 8 : i32
    %mul3A_46 = vector.broadcast %mul3A_45 : i32 to vector<16xi32>
    %mul3A_47 = arith.muli %get3A_29, %mul3A_46 : vector<16xi32>
    %add3A_48 = arith.constant 1 : i32
    %add3A_49 = vector.broadcast %add3A_48 : i32 to vector<16xi32>
    %add3A_50 = arith.addi %mul3A_47, %add3A_49 : vector<16xi32>
    tpu.vector_store_idx %arg6[%add3A_44], %add3A_50 : memref<4096xi32, #tpu.memory_space<vmem>>[vector<16xi32>], vector<16xi32>,
    %add3A_51 = arith.constant 16 : i32
    %add3A_52 = vector.broadcast %add3A_51 : i32 to vector<16xi32>
    %add3A_53 = arith.addi %add3A_32, %add3A_52 : vector<16xi32>
    %mul3A_54 = arith.constant 8 : i32
    %mul3A_55 = vector.broadcast %mul3A_54 : i32 to vector<16xi32>
    %mul3A_56 = arith.muli %get3A_29, %mul3A_55 : vector<16xi32>
    %add3A_57 = arith.constant 2 : i32
    %add3A_58 = vector.broadcast %add3A_57 : i32 to vector<16xi32>
    %add3A_59 = arith.addi %mul3A_56, %add3A_58 : vector<16xi32>
    tpu.vector_store_idx %arg6[%add3A_53], %add3A_59 : memref<4096xi32, #tpu.memory_space<vmem>>[vector<16xi32>], vector<16xi32>,
    %add3A_60 = arith.constant 24 : i32
    %add3A_61 = vector.broadcast %add3A_60 : i32 to vector<16xi32>
    %add3A_62 = arith.addi %add3A_32, %add3A_61 : vector<16xi32>
    %mul3A_63 = arith.constant 8 : i32
    %mul3A_64 = vector.broadcast %mul3A_63 : i32 to vector<16xi32>
    %mul3A_65 = arith.muli %get3A_29, %mul3A_64 : vector<16xi32>
    %add3A_66 = arith.constant 3 : i32
    %add3A_67 = vector.broadcast %add3A_66 : i32 to vector<16xi32>
    %add3A_68 = arith.addi %mul3A_65, %add3A_67 : vector<16xi32>
    tpu.vector_store_idx %arg6[%add3A_62], %add3A_68 : memref<4096xi32, #tpu.memory_space<vmem>>[vector<16xi32>], vector<16xi32>,
    %add3A_69 = arith.constant 32 : i32
    %add3A_70 = vector.broadcast %add3A_69 : i32 to vector<16xi32>
    %add3A_71 = arith.addi %add3A_32, %add3A_70 : vector<16xi32>
    %mul3A_72 = arith.constant 8 : i32
    %mul3A_73 = vector.broadcast %mul3A_72 : i32 to vector<16xi32>
    %mul3A_74 = arith.muli %get3A_29, %mul3A_73 : vector<16xi32>
    %add3A_75 = arith.constant 4 : i32
    %add3A_76 = vector.broadcast %add3A_75 : i32 to vector<16xi32>
    %add3A_77 = arith.addi %mul3A_74, %add3A_76 : vector<16xi32>
    tpu.vector_store_idx %arg6[%add3A_71], %add3A_77 : memref<4096xi32, #tpu.memory_space<vmem>>[vector<16xi32>], vector<16xi32>,
    %add3A_78 = arith.constant 40 : i32
    %add3A_79 = vector.broadcast %add3A_78 : i32 to vector<16xi32>
    %add3A_80 = arith.addi %add3A_32, %add3A_79 : vector<16xi32>
    %mul3A_81 = arith.constant 8 : i32
    %mul3A_82 = vector.broadcast %mul3A_81 : i32 to vector<16xi32>
    %mul3A_83 = arith.muli %get3A_29, %mul3A_82 : vector<16xi32>
    %add3A_84 = arith.constant 5 : i32
    %add3A_85 = vector.broadcast %add3A_84 : i32 to vector<16xi32>
    %add3A_86 = arith.addi %mul3A_83, %add3A_85 : vector<16xi32>
    tpu.vector_store_idx %arg6[%add3A_80], %add3A_86 : memref<4096xi32, #tpu.memory_space<vmem>>[vector<16xi32>], vector<16xi32>,
    %add3A_87 = arith.constant 48 : i32
    %add3A_88 = vector.broadcast %add3A_87 : i32 to vector<16xi32>
    %add3A_89 = arith.addi %add3A_32, %add3A_88 : vector<16xi32>
    %mul3A_90 = arith.constant 8 : i32
    %mul3A_91 = vector.broadcast %mul3A_90 : i32 to vector<16xi32>
    %mul3A_92 = arith.muli %get3A_29, %mul3A_91 : vector<16xi32>
    %add3A_93 = arith.constant 6 : i32
    %add3A_94 = vector.broadcast %add3A_93 : i32 to vector<16xi32>
    %add3A_95 = arith.addi %mul3A_92, %add3A_94 : vector<16xi32>
    tpu.vector_store_idx %arg6[%add3A_89], %add3A_95 : memref<4096xi32, #tpu.memory_space<vmem>>[vector<16xi32>], vector<16xi32>,
    %add3A_96 = arith.constant 56 : i32
    %add3A_97 = vector.broadcast %add3A_96 : i32 to vector<16xi32>
    %add3A_98 = arith.addi %add3A_32, %add3A_97 : vector<16xi32>
    %mul3A_99 = arith.constant 8 : i32
    %mul3A_100 = vector.broadcast %mul3A_99 : i32 to vector<16xi32>
    %mul3A_101 = arith.muli %get3A_29, %mul3A_100 : vector<16xi32>
    %add3A_102 = arith.constant 7 : i32
    %add3A_103 = vector.broadcast %add3A_102 : i32 to vector<16xi32>
    %add3A_104 = arith.addi %mul3A_101, %add3A_103 : vector<16xi32>
    tpu.vector_store_idx %arg6[%add3A_98], %add3A_104 : memref<4096xi32, #tpu.memory_space<vmem>>[vector<16xi32>], vector<16xi32>,
    %dma_start3A = arith.constant 0 : i32
    %dma_start3A_105 = tpu.memref_slice %arg6[%dma_start3A] : memref<4096xi32, #tpu.memory_space<vmem>> -> memref<128xi32, #tpu.memory_space<vmem>>
    %dma_start3A_106 = arith.constant 0 : i32
    %dma_start3A_107 = arith.constant 0 : i32
    %dma_start3A_108 = tpu.memref_slice %arg3[%dma_start3A_106, %dma_start3A_107] : memref<800000x128xf32, #tpu.memory_space<hbm>> -> memref<800000x128xf32, #tpu.memory_space<hbm>>
    tpu.enqueue_indirect_dma source(%dma_start3A_108 : memref<800000x128xf32, #tpu.memory_space<hbm>>) target(%arg7 : memref<128x128xf32, #tpu.memory_space<vmem>>) offsets(%dma_start3A_105 : memref<128xi32, #tpu.memory_space<vmem>>) semaphore(%arg13 : memref<!tpu.dma_semaphore, #tpu.memory_space<semaphore_mem>>)
    %get3A_109 = arith.constant 0 : i32
    %get3A_110 = arith.index_cast %get3A_109 : i32 to index
    %get3A_111 = arith.constant 16 : index
    %get3A_112 = tpu.vector_load %arg5[%get3A_110, %get3A_111] {strides = array<i32>} : memref<4x128xi32, #tpu.memory_space<vmem>>, vector<16xi32>,
    %add3A_113 = arith.constant 128 : i32
    %add3A_114 = vector.broadcast %add3A_113 : i32 to vector<16xi32>
    %add3A_115 = arith.addi %add3A_114, %add3A_26 : vector<16xi32>
    %add3A_116 = arith.constant 0 : i32
    %add3A_117 = vector.broadcast %add3A_116 : i32 to vector<16xi32>
    %add3A_118 = arith.addi %add3A_115, %add3A_117 : vector<16xi32>
    %mul3A_119 = arith.constant 8 : i32
    %mul3A_120 = vector.broadcast %mul3A_119 : i32 to vector<16xi32>
    %mul3A_121 = arith.muli %get3A_112, %mul3A_120 : vector<16xi32>
    %add3A_122 = arith.constant 0 : i32
    %add3A_123 = vector.broadcast %add3A_122 : i32 to vector<16xi32>
    %add3A_124 = arith.addi %mul3A_121, %add3A_123 : vector<16xi32>
    tpu.vector_store_idx %arg6[%add3A_118], %add3A_124 : memref<4096xi32, #tpu.memory_space<vmem>>[vector<16xi32>], vector<16xi32>,
    %add3A_125 = arith.constant 8 : i32
    %add3A_126 = vector.broadcast %add3A_125 : i32 to vector<16xi32>
    %add3A_127 = arith.addi %add3A_115, %add3A_126 : vector<16xi32>
    %mul3A_128 = arith.constant 8 : i32
    %mul3A_129 = vector.broadcast %mul3A_128 : i32 to vector<16xi32>
    %mul3A_130 = arith.muli %get3A_112, %mul3A_129 : vector<16xi32>
    %add3A_131 = arith.constant 1 : i32
    %add3A_132 = vector.broadcast %add3A_131 : i32 to vector<16xi32>
    %add3A_133 = arith.addi %mul3A_130, %add3A_132 : vector<16xi32>
    tpu.vector_store_idx %arg6[%add3A_127], %add3A_133 : memref<4096xi32, #tpu.memory_space<vmem>>[vector<16xi32>], vector<16xi32>,
    %add3A_134 = arith.constant 16 : i32
    %add3A_135 = vector.broadcast %add3A_134 : i32 to vector<16xi32>
    %add3A_136 = arith.addi %add3A_115, %add3A_135 : vector<16xi32>
    %mul3A_137 = arith.constant 8 : i32
    %mul3A_138 = vector.broadcast %mul3A_137 : i32 to vector<16xi32>
    %mul3A_139 = arith.muli %get3A_112, %mul3A_138 : vector<16xi32>
    %add3A_140 = arith.constant 2 : i32
    %add3A_141 = vector.broadcast %add3A_140 : i32 to vector<16xi32>
    %add3A_142 = arith.addi %mul3A_139, %add3A_141 : vector<16xi32>
    tpu.vector_store_idx %arg6[%add3A_136], %add3A_142 : memref<4096xi32, #tpu.memory_space<vmem>>[vector<16xi32>], vector<16xi32>,
    %add3A_143 = arith.constant 24 : i32
    %add3A_144 = vector.broadcast %add3A_143 : i32 to vector<16xi32>
    %add3A_145 = arith.addi %add3A_115, %add3A_144 : vector<16xi32>
    %mul3A_146 = arith.constant 8 : i32
    %mul3A_147 = vector.broadcast %mul3A_146 : i32 to vector<16xi32>
    %mul3A_148 = arith.muli %get3A_112, %mul3A_147 : vector<16xi32>
    %add3A_149 = arith.constant 3 : i32
    %add3A_150 = vector.broadcast %add3A_149 : i32 to vector<16xi32>
    %add3A_151 = arith.addi %mul3A_148, %add3A_150 : vector<16xi32>
    tpu.vector_store_idx %arg6[%add3A_145], %add3A_151 : memref<4096xi32, #tpu.memory_space<vmem>>[vector<16xi32>], vector<16xi32>,
    %add3A_152 = arith.constant 32 : i32
    %add3A_153 = vector.broadcast %add3A_152 : i32 to vector<16xi32>
    %add3A_154 = arith.addi %add3A_115, %add3A_153 : vector<16xi32>
    %mul3A_155 = arith.constant 8 : i32
    %mul3A_156 = vector.broadcast %mul3A_155 : i32 to vector<16xi32>
    %mul3A_157 = arith.muli %get3A_112, %mul3A_156 : vector<16xi32>
    %add3A_158 = arith.constant 4 : i32
    %add3A_159 = vector.broadcast %add3A_158 : i32 to vector<16xi32>
    %add3A_160 = arith.addi %mul3A_157, %add3A_159 : vector<16xi32>
    tpu.vector_store_idx %arg6[%add3A_154], %add3A_160 : memref<4096xi32, #tpu.memory_space<vmem>>[vector<16xi32>], vector<16xi32>,
    %add3A_161 = arith.constant 40 : i32
    %add3A_162 = vector.broadcast %add3A_161 : i32 to vector<16xi32>
    %add3A_163 = arith.addi %add3A_115, %add3A_162 : vector<16xi32>
    %mul3A_164 = arith.constant 8 : i32
    %mul3A_165 = vector.broadcast %mul3A_164 : i32 to vector<16xi32>
    %mul3A_166 = arith.muli %get3A_112, %mul3A_165 : vector<16xi32>
    %add3A_167 = arith.constant 5 : i32
    %add3A_168 = vector.broadcast %add3A_167 : i32 to vector<16xi32>
    %add3A_169 = arith.addi %mul3A_166, %add3A_168 : vector<16xi32>
    tpu.vector_store_idx %arg6[%add3A_163], %add3A_169 : memref<4096xi32, #tpu.memory_space<vmem>>[vector<16xi32>], vector<16xi32>,
    %add3A_170 = arith.constant 48 : i32
    %add3A_171 = vector.broadcast %add3A_170 : i32 to vector<16xi32>
    %add3A_172 = arith.addi %add3A_115, %add3A_171 : vector<16xi32>
    %mul3A_173 = arith.constant 8 : i32
    %mul3A_174 = vector.broadcast %mul3A_173 : i32 to vector<16xi32>
    %mul3A_175 = arith.muli %get3A_112, %mul3A_174 : vector<16xi32>
    %add3A_176 = arith.constant 6 : i32
    %add3A_177 = vector.broadcast %add3A_176 : i32 to vector<16xi32>
    %add3A_178 = arith.addi %mul3A_175, %add3A_177 : vector<16xi32>
    tpu.vector_store_idx %arg6[%add3A_172], %add3A_178 : memref<4096xi32, #tpu.memory_space<vmem>>[vector<16xi32>], vector<16xi32>,
    %add3A_179 = arith.constant 56 : i32
    %add3A_180 = vector.broadcast %add3A_179 : i32 to vector<16xi32>
    %add3A_181 = arith.addi %add3A_115, %add3A_180 : vector<16xi32>
    %mul3A_182 = arith.constant 8 : i32
    %mul3A_183 = vector.broadcast %mul3A_182 : i32 to vector<16xi32>
    %mul3A_184 = arith.muli %get3A_112, %mul3A_183 : vector<16xi32>
    %add3A_185 = arith.constant 7 : i32
    %add3A_186 = vector.broadcast %add3A_185 : i32 to vector<16xi32>
    %add3A_187 = arith.addi %mul3A_184, %add3A_186 : vector<16xi32>
    tpu.vector_store_idx %arg6[%add3A_181], %add3A_187 : memref<4096xi32, #tpu.memory_space<vmem>>[vector<16xi32>], vector<16xi32>,
    %dma_start3A_188 = arith.constant 128 : i32
    %dma_start3A_189 = tpu.memref_slice %arg6[%dma_start3A_188] : memref<4096xi32, #tpu.memory_space<vmem>> -> memref<128xi32, #tpu.memory_space<vmem>>
    %dma_start3A_190 = arith.constant 0 : i32
    %dma_start3A_191 = arith.constant 0 : i32
    %dma_start3A_192 = tpu.memref_slice %arg3[%dma_start3A_190, %dma_start3A_191] : memref<800000x128xf32, #tpu.memory_space<hbm>> -> memref<800000x128xf32, #tpu.memory_space<hbm>>
    tpu.enqueue_indirect_dma source(%dma_start3A_192 : memref<800000x128xf32, #tpu.memory_space<hbm>>) target(%arg8 : memref<128x128xf32, #tpu.memory_space<vmem>>) offsets(%dma_start3A_189 : memref<128xi32, #tpu.memory_space<vmem>>) semaphore(%arg14 : memref<!tpu.dma_semaphore, #tpu.memory_space<semaphore_mem>>)
    %get3A_193 = arith.constant 0 : i32
    %get3A_194 = arith.index_cast %get3A_193 : i32 to index
    %get3A_195 = arith.constant 32 : index
    %get3A_196 = tpu.vector_load %arg5[%get3A_194, %get3A_195] {strides = array<i32>} : memref<4x128xi32, #tpu.memory_space<vmem>>, vector<16xi32>,
    %add3A_197 = arith.constant 256 : i32
    %add3A_198 = vector.broadcast %add3A_197 : i32 to vector<16xi32>
    %add3A_199 = arith.addi %add3A_198, %add3A_26 : vector<16xi32>
    %add3A_200 = arith.constant 0 : i32
    %add3A_201 = vector.broadcast %add3A_200 : i32 to vector<16xi32>
    %add3A_202 = arith.addi %add3A_199, %add3A_201 : vector<16xi32>
    %mul3A_203 = arith.constant 8 : i32
    %mul3A_204 = vector.broadcast %mul3A_203 : i32 to vector<16xi32>
    %mul3A_205 = arith.muli %get3A_196, %mul3A_204 : vector<16xi32>
    %add3A_206 = arith.constant 0 : i32
    %add3A_207 = vector.broadcast %add3A_206 : i32 to vector<16xi32>
    %add3A_208 = arith.addi %mul3A_205, %add3A_207 : vector<16xi32>
    tpu.vector_store_idx %arg6[%add3A_202], %add3A_208 : memref<4096xi32, #tpu.memory_space<vmem>>[vector<16xi32>], vector<16xi32>,
    %add3A_209 = arith.constant 8 : i32
    %add3A_210 = vector.broadcast %add3A_209 : i32 to vector<16xi32>
    %add3A_211 = arith.addi %add3A_199, %add3A_210 : vector<16xi32>
    %mul3A_212 = arith.constant 8 : i32
    %mul3A_213 = vector.broadcast %mul3A_212 : i32 to vector<16xi32>
    %mul3A_214 = arith.muli %get3A_196, %mul3A_213 : vector<16xi32>
    %add3A_215 = arith.constant 1 : i32
    %add3A_216 = vector.broadcast %add3A_215 : i32 to vector<16xi32>
    %add3A_217 = arith.addi %mul3A_214, %add3A_216 : vector<16xi32>
    tpu.vector_store_idx %arg6[%add3A_211], %add3A_217 : memref<4096xi32, #tpu.memory_space<vmem>>[vector<16xi32>], vector<16xi32>,
    %add3A_218 = arith.constant 16 : i32
    %add3A_219 = vector.broadcast %add3A_218 : i32 to vector<16xi32>
    %add3A_220 = arith.addi %add3A_199, %add3A_219 : vector<16xi32>
    %mul3A_221 = arith.constant 8 : i32
    %mul3A_222 = vector.broadcast %mul3A_221 : i32 to vector<16xi32>
    %mul3A_223 = arith.muli %get3A_196, %mul3A_222 : vector<16xi32>
    %add3A_224 = arith.constant 2 : i32
    %add3A_225 = vector.broadcast %add3A_224 : i32 to vector<16xi32>
    %add3A_226 = arith.addi %mul3A_223, %add3A_225 : vector<16xi32>
    tpu.vector_store_idx %arg6[%add3A_220], %add3A_226 : memref<4096xi32, #tpu.memory_space<vmem>>[vector<16xi32>], vector<16xi32>,
    %add3A_227 = arith.constant 24 : i32
    %add3A_228 = vector.broadcast %add3A_227 : i32 to vector<16xi32>
    %add3A_229 = arith.addi %add3A_199, %add3A_228 : vector<16xi32>
    %mul3A_230 = arith.constant 8 : i32
    %mul3A_231 = vector.broadcast %mul3A_230 : i32 to vector<16xi32>
    %mul3A_232 = arith.muli %get3A_196, %mul3A_231 : vector<16xi32>
    %add3A_233 = arith.constant 3 : i32
    %add3A_234 = vector.broadcast %add3A_233 : i32 to vector<16xi32>
    %add3A_235 = arith.addi %mul3A_232, %add3A_234 : vector<16xi32>
    tpu.vector_store_idx %arg6[%add3A_229], %add3A_235 : memref<4096xi32, #tpu.memory_space<vmem>>[vector<16xi32>], vector<16xi32>,
    %add3A_236 = arith.constant 32 : i32
    %add3A_237 = vector.broadcast %add3A_236 : i32 to vector<16xi32>
    %add3A_238 = arith.addi %add3A_199, %add3A_237 : vector<16xi32>
    %mul3A_239 = arith.constant 8 : i32
    %mul3A_240 = vector.broadcast %mul3A_239 : i32 to vector<16xi32>
    %mul3A_241 = arith.muli %get3A_196, %mul3A_240 : vector<16xi32>
    %add3A_242 = arith.constant 4 : i32
    %add3A_243 = vector.broadcast %add3A_242 : i32 to vector<16xi32>
    %add3A_244 = arith.addi %mul3A_241, %add3A_243 : vector<16xi32>
    tpu.vector_store_idx %arg6[%add3A_238], %add3A_244 : memref<4096xi32, #tpu.memory_space<vmem>>[vector<16xi32>], vector<16xi32>,
    %add3A_245 = arith.constant 40 : i32
    %add3A_246 = vector.broadcast %add3A_245 : i32 to vector<16xi32>
    %add3A_247 = arith.addi %add3A_199, %add3A_246 : vector<16xi32>
    %mul3A_248 = arith.constant 8 : i32
    %mul3A_249 = vector.broadcast %mul3A_248 : i32 to vector<16xi32>
    %mul3A_250 = arith.muli %get3A_196, %mul3A_249 : vector<16xi32>
    %add3A_251 = arith.constant 5 : i32
    %add3A_252 = vector.broadcast %add3A_251 : i32 to vector<16xi32>
    %add3A_253 = arith.addi %mul3A_250, %add3A_252 : vector<16xi32>
    tpu.vector_store_idx %arg6[%add3A_247], %add3A_253 : memref<4096xi32, #tpu.memory_space<vmem>>[vector<16xi32>], vector<16xi32>,
    %add3A_254 = arith.constant 48 : i32
    %add3A_255 = vector.broadcast %add3A_254 : i32 to vector<16xi32>
    %add3A_256 = arith.addi %add3A_199, %add3A_255 : vector<16xi32>
    %mul3A_257 = arith.constant 8 : i32
    %mul3A_258 = vector.broadcast %mul3A_257 : i32 to vector<16xi32>
    %mul3A_259 = arith.muli %get3A_196, %mul3A_258 : vector<16xi32>
    %add3A_260 = arith.constant 6 : i32
    %add3A_261 = vector.broadcast %add3A_260 : i32 to vector<16xi32>
    %add3A_262 = arith.addi %mul3A_259, %add3A_261 : vector<16xi32>
    tpu.vector_store_idx %arg6[%add3A_256], %add3A_262 : memref<4096xi32, #tpu.memory_space<vmem>>[vector<16xi32>], vector<16xi32>,
    %add3A_263 = arith.constant 56 : i32
    %add3A_264 = vector.broadcast %add3A_263 : i32 to vector<16xi32>
    %add3A_265 = arith.addi %add3A_199, %add3A_264 : vector<16xi32>
    %mul3A_266 = arith.constant 8 : i32
    %mul3A_267 = vector.broadcast %mul3A_266 : i32 to vector<16xi32>
    %mul3A_268 = arith.muli %get3A_196, %mul3A_267 : vector<16xi32>
    %add3A_269 = arith.constant 7 : i32
    %add3A_270 = vector.broadcast %add3A_269 : i32 to vector<16xi32>
    %add3A_271 = arith.addi %mul3A_268, %add3A_270 : vector<16xi32>
    tpu.vector_store_idx %arg6[%add3A_265], %add3A_271 : memref<4096xi32, #tpu.memory_space<vmem>>[vector<16xi32>], vector<16xi32>,
    %dma_start3A_272 = arith.constant 256 : i32
    %dma_start3A_273 = tpu.memref_slice %arg6[%dma_start3A_272] : memref<4096xi32, #tpu.memory_space<vmem>> -> memref<128xi32, #tpu.memory_space<vmem>>
    %dma_start3A_274 = arith.constant 0 : i32
    %dma_start3A_275 = arith.constant 0 : i32
    %dma_start3A_276 = tpu.memref_slice %arg3[%dma_start3A_274, %dma_start3A_275] : memref<800000x128xf32, #tpu.memory_space<hbm>> -> memref<800000x128xf32, #tpu.memory_space<hbm>>
    tpu.enqueue_indirect_dma source(%dma_start3A_276 : memref<800000x128xf32, #tpu.memory_space<hbm>>) target(%arg9 : memref<128x128xf32, #tpu.memory_space<vmem>>) offsets(%dma_start3A_273 : memref<128xi32, #tpu.memory_space<vmem>>) semaphore(%arg15 : memref<!tpu.dma_semaphore, #tpu.memory_space<semaphore_mem>>)
    %get3A_277 = arith.constant 0 : i32
    %get3A_278 = arith.index_cast %get3A_277 : i32 to index
    %get3A_279 = arith.constant 48 : index
    %get3A_280 = tpu.vector_load %arg5[%get3A_278, %get3A_279] {strides = array<i32>} : memref<4x128xi32, #tpu.memory_space<vmem>>, vector<16xi32>,
    %add3A_281 = arith.constant 384 : i32
    %add3A_282 = vector.broadcast %add3A_281 : i32 to vector<16xi32>
    %add3A_283 = arith.addi %add3A_282, %add3A_26 : vector<16xi32>
    %add3A_284 = arith.constant 0 : i32
    %add3A_285 = vector.broadcast %add3A_284 : i32 to vector<16xi32>
    %add3A_286 = arith.addi %add3A_283, %add3A_285 : vector<16xi32>
    %mul3A_287 = arith.constant 8 : i32
    %mul3A_288 = vector.broadcast %mul3A_287 : i32 to vector<16xi32>
    %mul3A_289 = arith.muli %get3A_280, %mul3A_288 : vector<16xi32>
    %add3A_290 = arith.constant 0 : i32
    %add3A_291 = vector.broadcast %add3A_290 : i32 to vector<16xi32>
    %add3A_292 = arith.addi %mul3A_289, %add3A_291 : vector<16xi32>
    tpu.vector_store_idx %arg6[%add3A_286], %add3A_292 : memref<4096xi32, #tpu.memory_space<vmem>>[vector<16xi32>], vector<16xi32>,
    %add3A_293 = arith.constant 8 : i32
    %add3A_294 = vector.broadcast %add3A_293 : i32 to vector<16xi32>
    %add3A_295 = arith.addi %add3A_283, %add3A_294 : vector<16xi32>
    %mul3A_296 = arith.constant 8 : i32
    %mul3A_297 = vector.broadcast %mul3A_296 : i32 to vector<16xi32>
    %mul3A_298 = arith.muli %get3A_280, %mul3A_297 : vector<16xi32>
    %add3A_299 = arith.constant 1 : i32
    %add3A_300 = vector.broadcast %add3A_299 : i32 to vector<16xi32>
    %add3A_301 = arith.addi %mul3A_298, %add3A_300 : vector<16xi32>
    tpu.vector_store_idx %arg6[%add3A_295], %add3A_301 : memref<4096xi32, #tpu.memory_space<vmem>>[vector<16xi32>], vector<16xi32>,
    %add3A_302 = arith.constant 16 : i32
    %add3A_303 = vector.broadcast %add3A_302 : i32 to vector<16xi32>
    %add3A_304 = arith.addi %add3A_283, %add3A_303 : vector<16xi32>
    %mul3A_305 = arith.constant 8 : i32
    %mul3A_306 = vector.broadcast %mul3A_305 : i32 to vector<16xi32>
    %mul3A_307 = arith.muli %get3A_280, %mul3A_306 : vector<16xi32>
    %add3A_308 = arith.constant 2 : i32
    %add3A_309 = vector.broadcast %add3A_308 : i32 to vector<16xi32>
    %add3A_310 = arith.addi %mul3A_307, %add3A_309 : vector<16xi32>
    tpu.vector_store_idx %arg6[%add3A_304], %add3A_310 : memref<4096xi32, #tpu.memory_space<vmem>>[vector<16xi32>], vector<16xi32>,
    %add3A_311 = arith.constant 24 : i32
    %add3A_312 = vector.broadcast %add3A_311 : i32 to vector<16xi32>
    %add3A_313 = arith.addi %add3A_283, %add3A_312 : vector<16xi32>
    %mul3A_314 = arith.constant 8 : i32
    %mul3A_315 = vector.broadcast %mul3A_314 : i32 to vector<16xi32>
    %mul3A_316 = arith.muli %get3A_280, %mul3A_315 : vector<16xi32>
    %add3A_317 = arith.constant 3 : i32
    %add3A_318 = vector.broadcast %add3A_317 : i32 to vector<16xi32>
    %add3A_319 = arith.addi %mul3A_316, %add3A_318 : vector<16xi32>
    tpu.vector_store_idx %arg6[%add3A_313], %add3A_319 : memref<4096xi32, #tpu.memory_space<vmem>>[vector<16xi32>], vector<16xi32>,
    %add3A_320 = arith.constant 32 : i32
    %add3A_321 = vector.broadcast %add3A_320 : i32 to vector<16xi32>
    %add3A_322 = arith.addi %add3A_283, %add3A_321 : vector<16xi32>
    %mul3A_323 = arith.constant 8 : i32
    %mul3A_324 = vector.broadcast %mul3A_323 : i32 to vector<16xi32>
    %mul3A_325 = arith.muli %get3A_280, %mul3A_324 : vector<16xi32>
    %add3A_326 = arith.constant 4 : i32
    %add3A_327 = vector.broadcast %add3A_326 : i32 to vector<16xi32>
    %add3A_328 = arith.addi %mul3A_325, %add3A_327 : vector<16xi32>
    tpu.vector_store_idx %arg6[%add3A_322], %add3A_328 : memref<4096xi32, #tpu.memory_space<vmem>>[vector<16xi32>], vector<16xi32>,
    %add3A_329 = arith.constant 40 : i32
    %add3A_330 = vector.broadcast %add3A_329 : i32 to vector<16xi32>
    %add3A_331 = arith.addi %add3A_283, %add3A_330 : vector<16xi32>
    %mul3A_332 = arith.constant 8 : i32
    %mul3A_333 = vector.broadcast %mul3A_332 : i32 to vector<16xi32>
    %mul3A_334 = arith.muli %get3A_280, %mul3A_333 : vector<16xi32>
    %add3A_335 = arith.constant 5 : i32
    %add3A_336 = vector.broadcast %add3A_335 : i32 to vector<16xi32>
    %add3A_337 = arith.addi %mul3A_334, %add3A_336 : vector<16xi32>
    tpu.vector_store_idx %arg6[%add3A_331], %add3A_337 : memref<4096xi32, #tpu.memory_space<vmem>>[vector<16xi32>], vector<16xi32>,
    %add3A_338 = arith.constant 48 : i32
    %add3A_339 = vector.broadcast %add3A_338 : i32 to vector<16xi32>
    %add3A_340 = arith.addi %add3A_283, %add3A_339 : vector<16xi32>
    %mul3A_341 = arith.constant 8 : i32
    %mul3A_342 = vector.broadcast %mul3A_341 : i32 to vector<16xi32>
    %mul3A_343 = arith.muli %get3A_280, %mul3A_342 : vector<16xi32>
    %add3A_344 = arith.constant 6 : i32
    %add3A_345 = vector.broadcast %add3A_344 : i32 to vector<16xi32>
    %add3A_346 = arith.addi %mul3A_343, %add3A_345 : vector<16xi32>
    tpu.vector_store_idx %arg6[%add3A_340], %add3A_346 : memref<4096xi32, #tpu.memory_space<vmem>>[vector<16xi32>], vector<16xi32>,
    %add3A_347 = arith.constant 56 : i32
    %add3A_348 = vector.broadcast %add3A_347 : i32 to vector<16xi32>
    %add3A_349 = arith.addi %add3A_283, %add3A_348 : vector<16xi32>
    %mul3A_350 = arith.constant 8 : i32
    %mul3A_351 = vector.broadcast %mul3A_350 : i32 to vector<16xi32>
    %mul3A_352 = arith.muli %get3A_280, %mul3A_351 : vector<16xi32>
    %add3A_353 = arith.constant 7 : i32
    %add3A_354 = vector.broadcast %add3A_353 : i32 to vector<16xi32>
    %add3A_355 = arith.addi %mul3A_352, %add3A_354 : vector<16xi32>
    tpu.vector_store_idx %arg6[%add3A_349], %add3A_355 : memref<4096xi32, #tpu.memory_space<vmem>>[vector<16xi32>], vector<16xi32>,
    %dma_start3A_356 = arith.constant 384 : i32
    %dma_start3A_357 = tpu.memref_slice %arg6[%dma_start3A_356] : memref<4096xi32, #tpu.memory_space<vmem>> -> memref<128xi32, #tpu.memory_space<vmem>>
    %dma_start3A_358 = arith.constant 0 : i32
    %dma_start3A_359 = arith.constant 0 : i32
    %dma_start3A_360 = tpu.memref_slice %arg3[%dma_start3A_358, %dma_start3A_359] : memref<800000x128xf32, #tpu.memory_space<hbm>> -> memref<800000x128xf32, #tpu.memory_space<hbm>>
    tpu.enqueue_indirect_dma source(%dma_start3A_360 : memref<800000x128xf32, #tpu.memory_space<hbm>>) target(%arg10 : memref<128x128xf32, #tpu.memory_space<vmem>>) offsets(%dma_start3A_357 : memref<128xi32, #tpu.memory_space<vmem>>) semaphore(%arg16 : memref<!tpu.dma_semaphore, #tpu.memory_space<semaphore_mem>>)
    %scan3A = arith.constant 0 : i32
    %scan3A_361 = arith.constant 4 : i32
    %scan3A_362 = arith.constant 28 : i32
    %scan3A_363 = arith.addi %scan3A_361, %scan3A_362 : i32
    %scan3A_364 = arith.constant 1 : i32
    scf.for %scan3A_1049 = %scan3A_361 to %scan3A_363 step %scan3A_364  : i32 {
      %jit3A_1050 = arith.constant 8 : i32
      %div3A = arith.divsi %scan3A_1049, %jit3A_1050 : i32
      %sign3A = arith.constant 0 : i32
      %sign3A_1051 = arith.cmpi sgt, %scan3A_1049, %sign3A : i32
      %sign3A_1052 = arith.extui %sign3A_1051 : i1 to i32
      %sign3A_1053 = arith.constant 0 : i32
      %sign3A_1054 = arith.cmpi slt, %scan3A_1049, %sign3A_1053 : i32
      %sign3A_1055 = arith.extui %sign3A_1054 : i1 to i32
      %sign3A_1056 = arith.subi %sign3A_1052, %sign3A_1055 : i32
      %sign3A_1057 = arith.constant 0 : i32
      %sign3A_1058 = arith.cmpi sgt, %jit3A_1050, %sign3A_1057 : i32
      %sign3A_1059 = arith.extui %sign3A_1058 : i1 to i32
      %sign3A_1060 = arith.constant 0 : i32
      %sign3A_1061 = arith.cmpi slt, %jit3A_1050, %sign3A_1060 : i32
      %sign3A_1062 = arith.extui %sign3A_1061 : i1 to i32
      %sign3A_1063 = arith.subi %sign3A_1059, %sign3A_1062 : i32
      %ne3A_1064 = arith.cmpi ne, %sign3A_1056, %sign3A_1063 : i32
      %rem3A_1065 = arith.remsi %scan3A_1049, %jit3A_1050 : i32
      %ne3A_1066 = arith.constant 0 : i32
      %ne3A_1067 = arith.cmpi ne, %rem3A_1065, %ne3A_1066 : i32
      %and3A_1068 = arith.andi %ne3A_1064, %ne3A_1067 : i1
      %sub3A = arith.constant 1 : i32
      %sub3A_1069 = arith.subi %div3A, %sub3A : i32
      %select_n3A_1070 = arith.select %and3A_1068, %sub3A_1069, %div3A : i32
      %jit3A_1071 = arith.constant 8 : i32
      %eq3A_1072 = arith.constant 0 : i32
      %eq3A_1073 = arith.cmpi eq, %jit3A_1071, %eq3A_1072 : i32
      %jit3A_1074 = arith.constant 1 : i32
      %select_n3A_1075 = arith.select %eq3A_1073, %jit3A_1074, %jit3A_1071 : i32
      %rem3A_1076 = arith.remsi %scan3A_1049, %select_n3A_1075 : i32
      %ne3A_1077 = arith.constant 0 : i32
      %ne3A_1078 = arith.cmpi ne, %rem3A_1076, %ne3A_1077 : i32
      %lt3A_1079 = arith.constant 0 : i32
      %lt3A_1080 = arith.cmpi slt, %rem3A_1076, %lt3A_1079 : i32
      %lt3A_1081 = arith.constant 0 : i32
      %lt3A_1082 = arith.cmpi slt, %select_n3A_1075, %lt3A_1081 : i32
      %ne3A_1083 = arith.xori %lt3A_1080, %lt3A_1082 : i1
      %and3A_1084 = arith.andi %ne3A_1083, %ne3A_1078 : i1
      %add3A_1085 = arith.addi %rem3A_1076, %select_n3A_1075 : i32
      %select_n3A_1086 = arith.select %and3A_1084, %add3A_1085, %rem3A_1076 : i32
      %mul3A_1087 = arith.constant 16 : i32
      %mul3A_1088 = arith.muli %select_n3A_1086, %mul3A_1087 : i32
      %get3A_1089 = arith.index_cast %select_n3A_1070 : i32 to index
      %get3A_1090 = arith.index_cast %mul3A_1088 : i32 to index
      %get3A_1091 = tpu.vector_load %arg5[%get3A_1089, %get3A_1090] {strides = array<i32>} : memref<4x128xi32, #tpu.memory_space<vmem>>, vector<16xi32>,
      %mul3A_1092 = arith.constant 128 : i32
      %mul3A_1093 = arith.muli %scan3A_1049, %mul3A_1092 : i32
      %add3A_1094 = vector.broadcast %mul3A_1093 : i32 to vector<16xi32>
      %add3A_1095 = arith.addi %add3A_1094, %add3A_26 : vector<16xi32>
      %add3A_1096 = arith.constant 0 : i32
      %add3A_1097 = vector.broadcast %add3A_1096 : i32 to vector<16xi32>
      %add3A_1098 = arith.addi %add3A_1095, %add3A_1097 : vector<16xi32>
      %mul3A_1099 = arith.constant 8 : i32
      %mul3A_1100 = vector.broadcast %mul3A_1099 : i32 to vector<16xi32>
      %mul3A_1101 = arith.muli %get3A_1091, %mul3A_1100 : vector<16xi32>
      %add3A_1102 = arith.constant 0 : i32
      %add3A_1103 = vector.broadcast %add3A_1102 : i32 to vector<16xi32>
      %add3A_1104 = arith.addi %mul3A_1101, %add3A_1103 : vector<16xi32>
      tpu.vector_store_idx %arg6[%add3A_1098], %add3A_1104 : memref<4096xi32, #tpu.memory_space<vmem>>[vector<16xi32>], vector<16xi32>,
      %add3A_1105 = arith.constant 8 : i32
      %add3A_1106 = vector.broadcast %add3A_1105 : i32 to vector<16xi32>
      %add3A_1107 = arith.addi %add3A_1095, %add3A_1106 : vector<16xi32>
      %mul3A_1108 = arith.constant 8 : i32
      %mul3A_1109 = vector.broadcast %mul3A_1108 : i32 to vector<16xi32>
      %mul3A_1110 = arith.muli %get3A_1091, %mul3A_1109 : vector<16xi32>
      %add3A_1111 = arith.constant 1 : i32
      %add3A_1112 = vector.broadcast %add3A_1111 : i32 to vector<16xi32>
      %add3A_1113 = arith.addi %mul3A_1110, %add3A_1112 : vector<16xi32>
      tpu.vector_store_idx %arg6[%add3A_1107], %add3A_1113 : memref<4096xi32, #tpu.memory_space<vmem>>[vector<16xi32>], vector<16xi32>,
      %add3A_1114 = arith.constant 16 : i32
      %add3A_1115 = vector.broadcast %add3A_1114 : i32 to vector<16xi32>
      %add3A_1116 = arith.addi %add3A_1095, %add3A_1115 : vector<16xi32>
      %mul3A_1117 = arith.constant 8 : i32
      %mul3A_1118 = vector.broadcast %mul3A_1117 : i32 to vector<16xi32>
      %mul3A_1119 = arith.muli %get3A_1091, %mul3A_1118 : vector<16xi32>
      %add3A_1120 = arith.constant 2 : i32
      %add3A_1121 = vector.broadcast %add3A_1120 : i32 to vector<16xi32>
      %add3A_1122 = arith.addi %mul3A_1119, %add3A_1121 : vector<16xi32>
      tpu.vector_store_idx %arg6[%add3A_1116], %add3A_1122 : memref<4096xi32, #tpu.memory_space<vmem>>[vector<16xi32>], vector<16xi32>,
      %add3A_1123 = arith.constant 24 : i32
      %add3A_1124 = vector.broadcast %add3A_1123 : i32 to vector<16xi32>
      %add3A_1125 = arith.addi %add3A_1095, %add3A_1124 : vector<16xi32>
      %mul3A_1126 = arith.constant 8 : i32
      %mul3A_1127 = vector.broadcast %mul3A_1126 : i32 to vector<16xi32>
      %mul3A_1128 = arith.muli %get3A_1091, %mul3A_1127 : vector<16xi32>
      %add3A_1129 = arith.constant 3 : i32
      %add3A_1130 = vector.broadcast %add3A_1129 : i32 to vector<16xi32>
      %add3A_1131 = arith.addi %mul3A_1128, %add3A_1130 : vector<16xi32>
      tpu.vector_store_idx %arg6[%add3A_1125], %add3A_1131 : memref<4096xi32, #tpu.memory_space<vmem>>[vector<16xi32>], vector<16xi32>,
      %add3A_1132 = arith.constant 32 : i32
      %add3A_1133 = vector.broadcast %add3A_1132 : i32 to vector<16xi32>
      %add3A_1134 = arith.addi %add3A_1095, %add3A_1133 : vector<16xi32>
      %mul3A_1135 = arith.constant 8 : i32
      %mul3A_1136 = vector.broadcast %mul3A_1135 : i32 to vector<16xi32>
      %mul3A_1137 = arith.muli %get3A_1091, %mul3A_1136 : vector<16xi32>
      %add3A_1138 = arith.constant 4 : i32
      %add3A_1139 = vector.broadcast %add3A_1138 : i32 to vector<16xi32>
      %add3A_1140 = arith.addi %mul3A_1137, %add3A_1139 : vector<16xi32>
      tpu.vector_store_idx %arg6[%add3A_1134], %add3A_1140 : memref<4096xi32, #tpu.memory_space<vmem>>[vector<16xi32>], vector<16xi32>,
      %add3A_1141 = arith.constant 40 : i32
      %add3A_1142 = vector.broadcast %add3A_1141 : i32 to vector<16xi32>
      %add3A_1143 = arith.addi %add3A_1095, %add3A_1142 : vector<16xi32>
      %mul3A_1144 = arith.constant 8 : i32
      %mul3A_1145 = vector.broadcast %mul3A_1144 : i32 to vector<16xi32>
      %mul3A_1146 = arith.muli %get3A_1091, %mul3A_1145 : vector<16xi32>
      %add3A_1147 = arith.constant 5 : i32
      %add3A_1148 = vector.broadcast %add3A_1147 : i32 to vector<16xi32>
      %add3A_1149 = arith.addi %mul3A_1146, %add3A_1148 : vector<16xi32>
      tpu.vector_store_idx %arg6[%add3A_1143], %add3A_1149 : memref<4096xi32, #tpu.memory_space<vmem>>[vector<16xi32>], vector<16xi32>,
      %add3A_1150 = arith.constant 48 : i32
      %add3A_1151 = vector.broadcast %add3A_1150 : i32 to vector<16xi32>
      %add3A_1152 = arith.addi %add3A_1095, %add3A_1151 : vector<16xi32>
      %mul3A_1153 = arith.constant 8 : i32
      %mul3A_1154 = vector.broadcast %mul3A_1153 : i32 to vector<16xi32>
      %mul3A_1155 = arith.muli %get3A_1091, %mul3A_1154 : vector<16xi32>
      %add3A_1156 = arith.constant 6 : i32
      %add3A_1157 = vector.broadcast %add3A_1156 : i32 to vector<16xi32>
      %add3A_1158 = arith.addi %mul3A_1155, %add3A_1157 : vector<16xi32>
      tpu.vector_store_idx %arg6[%add3A_1152], %add3A_1158 : memref<4096xi32, #tpu.memory_space<vmem>>[vector<16xi32>], vector<16xi32>,
      %add3A_1159 = arith.constant 56 : i32
      %add3A_1160 = vector.broadcast %add3A_1159 : i32 to vector<16xi32>
      %add3A_1161 = arith.addi %add3A_1095, %add3A_1160 : vector<16xi32>
      %mul3A_1162 = arith.constant 8 : i32
      %mul3A_1163 = vector.broadcast %mul3A_1162 : i32 to vector<16xi32>
      %mul3A_1164 = arith.muli %get3A_1091, %mul3A_1163 : vector<16xi32>
      %add3A_1165 = arith.constant 7 : i32
      %add3A_1166 = vector.broadcast %add3A_1165 : i32 to vector<16xi32>
      %add3A_1167 = arith.addi %mul3A_1164, %add3A_1166 : vector<16xi32>
      tpu.vector_store_idx %arg6[%add3A_1161], %add3A_1167 : memref<4096xi32, #tpu.memory_space<vmem>>[vector<16xi32>], vector<16xi32>,
    }
    %scan3A_365 = arith.constant 28 : i32
    %dma_wait3A = arith.constant 0 : i32
    %dma_wait3A_366 = tpu.memref_slice %arg6[%dma_wait3A] : memref<4096xi32, #tpu.memory_space<vmem>> -> memref<128xi32, #tpu.memory_space<vmem>>
    %dma_wait3A_367 = arith.constant 0 : i32
    %dma_wait3A_368 = arith.constant 0 : i32
    %dma_wait3A_369 = tpu.memref_slice %arg3[%dma_wait3A_367, %dma_wait3A_368] : memref<800000x128xf32, #tpu.memory_space<hbm>> -> memref<800000x128xf32, #tpu.memory_space<hbm>>
    tpu.wait_indirect_dma semaphore(%arg13 : memref<!tpu.dma_semaphore, #tpu.memory_space<semaphore_mem>>) src(%dma_wait3A_369 : memref<800000x128xf32, #tpu.memory_space<hbm>>) dst(%arg7 : memref<128x128xf32, #tpu.memory_space<vmem>>)
    %add3A_370 = arith.constant 0 : i32
    %add3A_371 = arith.addi %mul3A_2, %add3A_370 : i32
    %dma_start3A_372 = arith.constant 0 : i32
    %dma_start3A_373 = tpu.memref_slice %arg4[%add3A_371, %dma_start3A_372] : memref<131072x128xf32, #tpu.memory_space<hbm>> -> memref<128x128xf32, #tpu.memory_space<hbm>>
    %dma_start3A_374 = arith.constant 0 : i32
    %dma_start3A_375 = tpu.memref_slice %arg4[%add3A_371, %dma_start3A_374] : memref<131072x128xf32, #tpu.memory_space<hbm>> -> memref<128x128xf32, #tpu.memory_space<hbm>>
    tpu.enqueue_dma source(%arg7 : memref<128x128xf32, #tpu.memory_space<vmem>>) target(%dma_start3A_375 : memref<128x128xf32, #tpu.memory_space<hbm>>) target_semaphore(%arg19 : memref<!tpu.dma_semaphore, #tpu.memory_space<semaphore_mem>>)
    %dma_start3A_376 = arith.constant 512 : i32
    %dma_start3A_377 = tpu.memref_slice %arg6[%dma_start3A_376] : memref<4096xi32, #tpu.memory_space<vmem>> -> memref<128xi32, #tpu.memory_space<vmem>>
    %dma_start3A_378 = arith.constant 0 : i32
    %dma_start3A_379 = arith.constant 0 : i32
    %dma_start3A_380 = tpu.memref_slice %arg3[%dma_start3A_378, %dma_start3A_379] : memref<800000x128xf32, #tpu.memory_space<hbm>> -> memref<800000x128xf32, #tpu.memory_space<hbm>>
    tpu.enqueue_indirect_dma source(%dma_start3A_380 : memref<800000x128xf32, #tpu.memory_space<hbm>>) target(%arg11 : memref<128x128xf32, #tpu.memory_space<vmem>>) offsets(%dma_start3A_377 : memref<128xi32, #tpu.memory_space<vmem>>) semaphore(%arg17 : memref<!tpu.dma_semaphore, #tpu.memory_space<semaphore_mem>>)
    %dma_wait3A_381 = arith.constant 128 : i32
    %dma_wait3A_382 = tpu.memref_slice %arg6[%dma_wait3A_381] : memref<4096xi32, #tpu.memory_space<vmem>> -> memref<128xi32, #tpu.memory_space<vmem>>
    %dma_wait3A_383 = arith.constant 0 : i32
    %dma_wait3A_384 = arith.constant 0 : i32
    %dma_wait3A_385 = tpu.memref_slice %arg3[%dma_wait3A_383, %dma_wait3A_384] : memref<800000x128xf32, #tpu.memory_space<hbm>> -> memref<800000x128xf32, #tpu.memory_space<hbm>>
    tpu.wait_indirect_dma semaphore(%arg14 : memref<!tpu.dma_semaphore, #tpu.memory_space<semaphore_mem>>) src(%dma_wait3A_385 : memref<800000x128xf32, #tpu.memory_space<hbm>>) dst(%arg8 : memref<128x128xf32, #tpu.memory_space<vmem>>)
    %add3A_386 = arith.constant 128 : i32
    %add3A_387 = arith.addi %mul3A_2, %add3A_386 : i32
    %dma_start3A_388 = arith.constant 0 : i32
    %dma_start3A_389 = tpu.memref_slice %arg4[%add3A_387, %dma_start3A_388] : memref<131072x128xf32, #tpu.memory_space<hbm>> -> memref<128x128xf32, #tpu.memory_space<hbm>>
    %dma_start3A_390 = arith.constant 0 : i32
    %dma_start3A_391 = tpu.memref_slice %arg4[%add3A_387, %dma_start3A_390] : memref<131072x128xf32, #tpu.memory_space<hbm>> -> memref<128x128xf32, #tpu.memory_space<hbm>>
    tpu.enqueue_dma source(%arg8 : memref<128x128xf32, #tpu.memory_space<vmem>>) target(%dma_start3A_391 : memref<128x128xf32, #tpu.memory_space<hbm>>) target_semaphore(%arg20 : memref<!tpu.dma_semaphore, #tpu.memory_space<semaphore_mem>>)
    %dma_start3A_392 = arith.constant 640 : i32
    %dma_start3A_393 = tpu.memref_slice %arg6[%dma_start3A_392] : memref<4096xi32, #tpu.memory_space<vmem>> -> memref<128xi32, #tpu.memory_space<vmem>>
    %dma_start3A_394 = arith.constant 0 : i32
    %dma_start3A_395 = arith.constant 0 : i32
    %dma_start3A_396 = tpu.memref_slice %arg3[%dma_start3A_394, %dma_start3A_395] : memref<800000x128xf32, #tpu.memory_space<hbm>> -> memref<800000x128xf32, #tpu.memory_space<hbm>>
    tpu.enqueue_indirect_dma source(%dma_start3A_396 : memref<800000x128xf32, #tpu.memory_space<hbm>>) target(%arg12 : memref<128x128xf32, #tpu.memory_space<vmem>>) offsets(%dma_start3A_393 : memref<128xi32, #tpu.memory_space<vmem>>) semaphore(%arg18 : memref<!tpu.dma_semaphore, #tpu.memory_space<semaphore_mem>>)
    %dma_wait3A_397 = arith.constant 256 : i32
    %dma_wait3A_398 = tpu.memref_slice %arg6[%dma_wait3A_397] : memref<4096xi32, #tpu.memory_space<vmem>> -> memref<128xi32, #tpu.memory_space<vmem>>
    %dma_wait3A_399 = arith.constant 0 : i32
    %dma_wait3A_400 = arith.constant 0 : i32
    %dma_wait3A_401 = tpu.memref_slice %arg3[%dma_wait3A_399, %dma_wait3A_400] : memref<800000x128xf32, #tpu.memory_space<hbm>> -> memref<800000x128xf32, #tpu.memory_space<hbm>>
    tpu.wait_indirect_dma semaphore(%arg15 : memref<!tpu.dma_semaphore, #tpu.memory_space<semaphore_mem>>) src(%dma_wait3A_401 : memref<800000x128xf32, #tpu.memory_space<hbm>>) dst(%arg9 : memref<128x128xf32, #tpu.memory_space<vmem>>)
    %add3A_402 = arith.constant 256 : i32
    %add3A_403 = arith.addi %mul3A_2, %add3A_402 : i32
    %dma_start3A_404 = arith.constant 0 : i32
    %dma_start3A_405 = tpu.memref_slice %arg4[%add3A_403, %dma_start3A_404] : memref<131072x128xf32, #tpu.memory_space<hbm>> -> memref<128x128xf32, #tpu.memory_space<hbm>>
    %dma_start3A_406 = arith.constant 0 : i32
    %dma_start3A_407 = tpu.memref_slice %arg4[%add3A_403, %dma_start3A_406] : memref<131072x128xf32, #tpu.memory_space<hbm>> -> memref<128x128xf32, #tpu.memory_space<hbm>>
    tpu.enqueue_dma source(%arg9 : memref<128x128xf32, #tpu.memory_space<vmem>>) target(%dma_start3A_407 : memref<128x128xf32, #tpu.memory_space<hbm>>) target_semaphore(%arg21 : memref<!tpu.dma_semaphore, #tpu.memory_space<semaphore_mem>>)
    %add3A_408 = arith.constant 0 : i32
    %add3A_409 = arith.addi %mul3A_2, %add3A_408 : i32
    %dma_wait3A_410 = arith.constant 0 : i32
    %dma_wait3A_411 = tpu.memref_slice %arg4[%add3A_409, %dma_wait3A_410] : memref<131072x128xf32, #tpu.memory_space<hbm>> -> memref<128x128xf32, #tpu.memory_space<hbm>>
    %dma_wait3A_412 = arith.constant 0 : i32
    %dma_wait3A_413 = tpu.memref_slice %arg4[%add3A_409, %dma_wait3A_412] : memref<131072x128xf32, #tpu.memory_space<hbm>> -> memref<128x128xf32, #tpu.memory_space<hbm>>
    tpu.wait_dma2 semaphore(%arg19 : memref<!tpu.dma_semaphore, #tpu.memory_space<semaphore_mem>>) src(%arg7 : memref<128x128xf32, #tpu.memory_space<vmem>>) dst(%dma_wait3A_413 : memref<128x128xf32, #tpu.memory_space<hbm>>)
    %dma_start3A_414 = arith.constant 768 : i32
    %dma_start3A_415 = tpu.memref_slice %arg6[%dma_start3A_414] : memref<4096xi32, #tpu.memory_space<vmem>> -> memref<128xi32, #tpu.memory_space<vmem>>
    %dma_start3A_416 = arith.constant 0 : i32
    %dma_start3A_417 = arith.constant 0 : i32
    %dma_start3A_418 = tpu.memref_slice %arg3[%dma_start3A_416, %dma_start3A_417] : memref<800000x128xf32, #tpu.memory_space<hbm>> -> memref<800000x128xf32, #tpu.memory_space<hbm>>
    tpu.enqueue_indirect_dma source(%dma_start3A_418 : memref<800000x128xf32, #tpu.memory_space<hbm>>) target(%arg7 : memref<128x128xf32, #tpu.memory_space<vmem>>) offsets(%dma_start3A_415 : memref<128xi32, #tpu.memory_space<vmem>>) semaphore(%arg13 : memref<!tpu.dma_semaphore, #tpu.memory_space<semaphore_mem>>)
    %dma_wait3A_419 = arith.constant 384 : i32
    %dma_wait3A_420 = tpu.memref_slice %arg6[%dma_wait3A_419] : memref<4096xi32, #tpu.memory_space<vmem>> -> memref<128xi32, #tpu.memory_space<vmem>>
    %dma_wait3A_421 = arith.constant 0 : i32
    %dma_wait3A_422 = arith.constant 0 : i32
    %dma_wait3A_423 = tpu.memref_slice %arg3[%dma_wait3A_421, %dma_wait3A_422] : memref<800000x128xf32, #tpu.memory_space<hbm>> -> memref<800000x128xf32, #tpu.memory_space<hbm>>
    tpu.wait_indirect_dma semaphore(%arg16 : memref<!tpu.dma_semaphore, #tpu.memory_space<semaphore_mem>>) src(%dma_wait3A_423 : memref<800000x128xf32, #tpu.memory_space<hbm>>) dst(%arg10 : memref<128x128xf32, #tpu.memory_space<vmem>>)
    %add3A_424 = arith.constant 384 : i32
    %add3A_425 = arith.addi %mul3A_2, %add3A_424 : i32
    %dma_start3A_426 = arith.constant 0 : i32
    %dma_start3A_427 = tpu.memref_slice %arg4[%add3A_425, %dma_start3A_426] : memref<131072x128xf32, #tpu.memory_space<hbm>> -> memref<128x128xf32, #tpu.memory_space<hbm>>
    %dma_start3A_428 = arith.constant 0 : i32
    %dma_start3A_429 = tpu.memref_slice %arg4[%add3A_425, %dma_start3A_428] : memref<131072x128xf32, #tpu.memory_space<hbm>> -> memref<128x128xf32, #tpu.memory_space<hbm>>
    tpu.enqueue_dma source(%arg10 : memref<128x128xf32, #tpu.memory_space<vmem>>) target(%dma_start3A_429 : memref<128x128xf32, #tpu.memory_space<hbm>>) target_semaphore(%arg22 : memref<!tpu.dma_semaphore, #tpu.memory_space<semaphore_mem>>)
    %add3A_430 = arith.constant 128 : i32
    %add3A_431 = arith.addi %mul3A_2, %add3A_430 : i32
    %dma_wait3A_432 = arith.constant 0 : i32
    %dma_wait3A_433 = tpu.memref_slice %arg4[%add3A_431, %dma_wait3A_432] : memref<131072x128xf32, #tpu.memory_space<hbm>> -> memref<128x128xf32, #tpu.memory_space<hbm>>
    %dma_wait3A_434 = arith.constant 0 : i32
    %dma_wait3A_435 = tpu.memref_slice %arg4[%add3A_431, %dma_wait3A_434] : memref<131072x128xf32, #tpu.memory_space<hbm>> -> memref<128x128xf32, #tpu.memory_space<hbm>>
    tpu.wait_dma2 semaphore(%arg20 : memref<!tpu.dma_semaphore, #tpu.memory_space<semaphore_mem>>) src(%arg8 : memref<128x128xf32, #tpu.memory_space<vmem>>) dst(%dma_wait3A_435 : memref<128x128xf32, #tpu.memory_space<hbm>>)
    %dma_start3A_436 = arith.constant 896 : i32
    %dma_start3A_437 = tpu.memref_slice %arg6[%dma_start3A_436] : memref<4096xi32, #tpu.memory_space<vmem>> -> memref<128xi32, #tpu.memory_space<vmem>>
    %dma_start3A_438 = arith.constant 0 : i32
    %dma_start3A_439 = arith.constant 0 : i32
    %dma_start3A_440 = tpu.memref_slice %arg3[%dma_start3A_438, %dma_start3A_439] : memref<800000x128xf32, #tpu.memory_space<hbm>> -> memref<800000x128xf32, #tpu.memory_space<hbm>>
    tpu.enqueue_indirect_dma source(%dma_start3A_440 : memref<800000x128xf32, #tpu.memory_space<hbm>>) target(%arg8 : memref<128x128xf32, #tpu.memory_space<vmem>>) offsets(%dma_start3A_437 : memref<128xi32, #tpu.memory_space<vmem>>) semaphore(%arg14 : memref<!tpu.dma_semaphore, #tpu.memory_space<semaphore_mem>>)
    %dma_wait3A_441 = arith.constant 512 : i32
    %dma_wait3A_442 = tpu.memref_slice %arg6[%dma_wait3A_441] : memref<4096xi32, #tpu.memory_space<vmem>> -> memref<128xi32, #tpu.memory_space<vmem>>
    %dma_wait3A_443 = arith.constant 0 : i32
    %dma_wait3A_444 = arith.constant 0 : i32
    %dma_wait3A_445 = tpu.memref_slice %arg3[%dma_wait3A_443, %dma_wait3A_444] : memref<800000x128xf32, #tpu.memory_space<hbm>> -> memref<800000x128xf32, #tpu.memory_space<hbm>>
    tpu.wait_indirect_dma semaphore(%arg17 : memref<!tpu.dma_semaphore, #tpu.memory_space<semaphore_mem>>) src(%dma_wait3A_445 : memref<800000x128xf32, #tpu.memory_space<hbm>>) dst(%arg11 : memref<128x128xf32, #tpu.memory_space<vmem>>)
    %add3A_446 = arith.constant 512 : i32
    %add3A_447 = arith.addi %mul3A_2, %add3A_446 : i32
    %dma_start3A_448 = arith.constant 0 : i32
    %dma_start3A_449 = tpu.memref_slice %arg4[%add3A_447, %dma_start3A_448] : memref<131072x128xf32, #tpu.memory_space<hbm>> -> memref<128x128xf32, #tpu.memory_space<hbm>>
    %dma_start3A_450 = arith.constant 0 : i32
    %dma_start3A_451 = tpu.memref_slice %arg4[%add3A_447, %dma_start3A_450] : memref<131072x128xf32, #tpu.memory_space<hbm>> -> memref<128x128xf32, #tpu.memory_space<hbm>>
    tpu.enqueue_dma source(%arg11 : memref<128x128xf32, #tpu.memory_space<vmem>>) target(%dma_start3A_451 : memref<128x128xf32, #tpu.memory_space<hbm>>) target_semaphore(%arg23 : memref<!tpu.dma_semaphore, #tpu.memory_space<semaphore_mem>>)
    %add3A_452 = arith.constant 256 : i32
    %add3A_453 = arith.addi %mul3A_2, %add3A_452 : i32
    %dma_wait3A_454 = arith.constant 0 : i32
    %dma_wait3A_455 = tpu.memref_slice %arg4[%add3A_453, %dma_wait3A_454] : memref<131072x128xf32, #tpu.memory_space<hbm>> -> memref<128x128xf32, #tpu.memory_space<hbm>>
    %dma_wait3A_456 = arith.constant 0 : i32
    %dma_wait3A_457 = tpu.memref_slice %arg4[%add3A_453, %dma_wait3A_456] : memref<131072x128xf32, #tpu.memory_space<hbm>> -> memref<128x128xf32, #tpu.memory_space<hbm>>
    tpu.wait_dma2 semaphore(%arg21 : memref<!tpu.dma_semaphore, #tpu.memory_space<semaphore_mem>>) src(%arg9 : memref<128x128xf32, #tpu.memory_space<vmem>>) dst(%dma_wait3A_457 : memref<128x128xf32, #tpu.memory_space<hbm>>)
    %dma_start3A_458 = arith.constant 1024 : i32
    %dma_start3A_459 = tpu.memref_slice %arg6[%dma_start3A_458] : memref<4096xi32, #tpu.memory_space<vmem>> -> memref<128xi32, #tpu.memory_space<vmem>>
    %dma_start3A_460 = arith.constant 0 : i32
    %dma_start3A_461 = arith.constant 0 : i32
    %dma_start3A_462 = tpu.memref_slice %arg3[%dma_start3A_460, %dma_start3A_461] : memref<800000x128xf32, #tpu.memory_space<hbm>> -> memref<800000x128xf32, #tpu.memory_space<hbm>>
    tpu.enqueue_indirect_dma source(%dma_start3A_462 : memref<800000x128xf32, #tpu.memory_space<hbm>>) target(%arg9 : memref<128x128xf32, #tpu.memory_space<vmem>>) offsets(%dma_start3A_459 : memref<128xi32, #tpu.memory_space<vmem>>) semaphore(%arg15 : memref<!tpu.dma_semaphore, #tpu.memory_space<semaphore_mem>>)
    %dma_wait3A_463 = arith.constant 640 : i32
    %dma_wait3A_464 = tpu.memref_slice %arg6[%dma_wait3A_463] : memref<4096xi32, #tpu.memory_space<vmem>> -> memref<128xi32, #tpu.memory_space<vmem>>
    %dma_wait3A_465 = arith.constant 0 : i32
    %dma_wait3A_466 = arith.constant 0 : i32
    %dma_wait3A_467 = tpu.memref_slice %arg3[%dma_wait3A_465, %dma_wait3A_466] : memref<800000x128xf32, #tpu.memory_space<hbm>> -> memref<800000x128xf32, #tpu.memory_space<hbm>>
    tpu.wait_indirect_dma semaphore(%arg18 : memref<!tpu.dma_semaphore, #tpu.memory_space<semaphore_mem>>) src(%dma_wait3A_467 : memref<800000x128xf32, #tpu.memory_space<hbm>>) dst(%arg12 : memref<128x128xf32, #tpu.memory_space<vmem>>)
    %add3A_468 = arith.constant 640 : i32
    %add3A_469 = arith.addi %mul3A_2, %add3A_468 : i32
    %dma_start3A_470 = arith.constant 0 : i32
    %dma_start3A_471 = tpu.memref_slice %arg4[%add3A_469, %dma_start3A_470] : memref<131072x128xf32, #tpu.memory_space<hbm>> -> memref<128x128xf32, #tpu.memory_space<hbm>>
    %dma_start3A_472 = arith.constant 0 : i32
    %dma_start3A_473 = tpu.memref_slice %arg4[%add3A_469, %dma_start3A_472] : memref<131072x128xf32, #tpu.memory_space<hbm>> -> memref<128x128xf32, #tpu.memory_space<hbm>>
    tpu.enqueue_dma source(%arg12 : memref<128x128xf32, #tpu.memory_space<vmem>>) target(%dma_start3A_473 : memref<128x128xf32, #tpu.memory_space<hbm>>) target_semaphore(%arg24 : memref<!tpu.dma_semaphore, #tpu.memory_space<semaphore_mem>>)
    %add3A_474 = arith.constant 384 : i32
    %add3A_475 = arith.addi %mul3A_2, %add3A_474 : i32
    %dma_wait3A_476 = arith.constant 0 : i32
    %dma_wait3A_477 = tpu.memref_slice %arg4[%add3A_475, %dma_wait3A_476] : memref<131072x128xf32, #tpu.memory_space<hbm>> -> memref<128x128xf32, #tpu.memory_space<hbm>>
    %dma_wait3A_478 = arith.constant 0 : i32
    %dma_wait3A_479 = tpu.memref_slice %arg4[%add3A_475, %dma_wait3A_478] : memref<131072x128xf32, #tpu.memory_space<hbm>> -> memref<128x128xf32, #tpu.memory_space<hbm>>
    tpu.wait_dma2 semaphore(%arg22 : memref<!tpu.dma_semaphore, #tpu.memory_space<semaphore_mem>>) src(%arg10 : memref<128x128xf32, #tpu.memory_space<vmem>>) dst(%dma_wait3A_479 : memref<128x128xf32, #tpu.memory_space<hbm>>)
    %dma_start3A_480 = arith.constant 1152 : i32
    %dma_start3A_481 = tpu.memref_slice %arg6[%dma_start3A_480] : memref<4096xi32, #tpu.memory_space<vmem>> -> memref<128xi32, #tpu.memory_space<vmem>>
    %dma_start3A_482 = arith.constant 0 : i32
    %dma_start3A_483 = arith.constant 0 : i32
    %dma_start3A_484 = tpu.memref_slice %arg3[%dma_start3A_482, %dma_start3A_483] : memref<800000x128xf32, #tpu.memory_space<hbm>> -> memref<800000x128xf32, #tpu.memory_space<hbm>>
    tpu.enqueue_indirect_dma source(%dma_start3A_484 : memref<800000x128xf32, #tpu.memory_space<hbm>>) target(%arg10 : memref<128x128xf32, #tpu.memory_space<vmem>>) offsets(%dma_start3A_481 : memref<128xi32, #tpu.memory_space<vmem>>) semaphore(%arg16 : memref<!tpu.dma_semaphore, #tpu.memory_space<semaphore_mem>>)
    %dma_wait3A_485 = arith.constant 768 : i32
    %dma_wait3A_486 = tpu.memref_slice %arg6[%dma_wait3A_485] : memref<4096xi32, #tpu.memory_space<vmem>> -> memref<128xi32, #tpu.memory_space<vmem>>
    %dma_wait3A_487 = arith.constant 0 : i32
    %dma_wait3A_488 = arith.constant 0 : i32
    %dma_wait3A_489 = tpu.memref_slice %arg3[%dma_wait3A_487, %dma_wait3A_488] : memref<800000x128xf32, #tpu.memory_space<hbm>> -> memref<800000x128xf32, #tpu.memory_space<hbm>>
    tpu.wait_indirect_dma semaphore(%arg13 : memref<!tpu.dma_semaphore, #tpu.memory_space<semaphore_mem>>) src(%dma_wait3A_489 : memref<800000x128xf32, #tpu.memory_space<hbm>>) dst(%arg7 : memref<128x128xf32, #tpu.memory_space<vmem>>)
    %add3A_490 = arith.constant 768 : i32
    %add3A_491 = arith.addi %mul3A_2, %add3A_490 : i32
    %dma_start3A_492 = arith.constant 0 : i32
    %dma_start3A_493 = tpu.memref_slice %arg4[%add3A_491, %dma_start3A_492] : memref<131072x128xf32, #tpu.memory_space<hbm>> -> memref<128x128xf32, #tpu.memory_space<hbm>>
    %dma_start3A_494 = arith.constant 0 : i32
    %dma_start3A_495 = tpu.memref_slice %arg4[%add3A_491, %dma_start3A_494] : memref<131072x128xf32, #tpu.memory_space<hbm>> -> memref<128x128xf32, #tpu.memory_space<hbm>>
    tpu.enqueue_dma source(%arg7 : memref<128x128xf32, #tpu.memory_space<vmem>>) target(%dma_start3A_495 : memref<128x128xf32, #tpu.memory_space<hbm>>) target_semaphore(%arg19 : memref<!tpu.dma_semaphore, #tpu.memory_space<semaphore_mem>>)
    %add3A_496 = arith.constant 512 : i32
    %add3A_497 = arith.addi %mul3A_2, %add3A_496 : i32
    %dma_wait3A_498 = arith.constant 0 : i32
    %dma_wait3A_499 = tpu.memref_slice %arg4[%add3A_497, %dma_wait3A_498] : memref<131072x128xf32, #tpu.memory_space<hbm>> -> memref<128x128xf32, #tpu.memory_space<hbm>>
    %dma_wait3A_500 = arith.constant 0 : i32
    %dma_wait3A_501 = tpu.memref_slice %arg4[%add3A_497, %dma_wait3A_500] : memref<131072x128xf32, #tpu.memory_space<hbm>> -> memref<128x128xf32, #tpu.memory_space<hbm>>
    tpu.wait_dma2 semaphore(%arg23 : memref<!tpu.dma_semaphore, #tpu.memory_space<semaphore_mem>>) src(%arg11 : memref<128x128xf32, #tpu.memory_space<vmem>>) dst(%dma_wait3A_501 : memref<128x128xf32, #tpu.memory_space<hbm>>)
    %dma_start3A_502 = arith.constant 1280 : i32
    %dma_start3A_503 = tpu.memref_slice %arg6[%dma_start3A_502] : memref<4096xi32, #tpu.memory_space<vmem>> -> memref<128xi32, #tpu.memory_space<vmem>>
    %dma_start3A_504 = arith.constant 0 : i32
    %dma_start3A_505 = arith.constant 0 : i32
    %dma_start3A_506 = tpu.memref_slice %arg3[%dma_start3A_504, %dma_start3A_505] : memref<800000x128xf32, #tpu.memory_space<hbm>> -> memref<800000x128xf32, #tpu.memory_space<hbm>>
    tpu.enqueue_indirect_dma source(%dma_start3A_506 : memref<800000x128xf32, #tpu.memory_space<hbm>>) target(%arg11 : memref<128x128xf32, #tpu.memory_space<vmem>>) offsets(%dma_start3A_503 : memref<128xi32, #tpu.memory_space<vmem>>) semaphore(%arg17 : memref<!tpu.dma_semaphore, #tpu.memory_space<semaphore_mem>>)
    %dma_wait3A_507 = arith.constant 896 : i32
    %dma_wait3A_508 = tpu.memref_slice %arg6[%dma_wait3A_507] : memref<4096xi32, #tpu.memory_space<vmem>> -> memref<128xi32, #tpu.memory_space<vmem>>
    %dma_wait3A_509 = arith.constant 0 : i32
    %dma_wait3A_510 = arith.constant 0 : i32
    %dma_wait3A_511 = tpu.memref_slice %arg3[%dma_wait3A_509, %dma_wait3A_510] : memref<800000x128xf32, #tpu.memory_space<hbm>> -> memref<800000x128xf32, #tpu.memory_space<hbm>>
    tpu.wait_indirect_dma semaphore(%arg14 : memref<!tpu.dma_semaphore, #tpu.memory_space<semaphore_mem>>) src(%dma_wait3A_511 : memref<800000x128xf32, #tpu.memory_space<hbm>>) dst(%arg8 : memref<128x128xf32, #tpu.memory_space<vmem>>)
    %add3A_512 = arith.constant 896 : i32
    %add3A_513 = arith.addi %mul3A_2, %add3A_512 : i32
    %dma_start3A_514 = arith.constant 0 : i32
    %dma_start3A_515 = tpu.memref_slice %arg4[%add3A_513, %dma_start3A_514] : memref<131072x128xf32, #tpu.memory_space<hbm>> -> memref<128x128xf32, #tpu.memory_space<hbm>>
    %dma_start3A_516 = arith.constant 0 : i32
    %dma_start3A_517 = tpu.memref_slice %arg4[%add3A_513, %dma_start3A_516] : memref<131072x128xf32, #tpu.memory_space<hbm>> -> memref<128x128xf32, #tpu.memory_space<hbm>>
    tpu.enqueue_dma source(%arg8 : memref<128x128xf32, #tpu.memory_space<vmem>>) target(%dma_start3A_517 : memref<128x128xf32, #tpu.memory_space<hbm>>) target_semaphore(%arg20 : memref<!tpu.dma_semaphore, #tpu.memory_space<semaphore_mem>>)
    %add3A_518 = arith.constant 640 : i32
    %add3A_519 = arith.addi %mul3A_2, %add3A_518 : i32
    %dma_wait3A_520 = arith.constant 0 : i32
    %dma_wait3A_521 = tpu.memref_slice %arg4[%add3A_519, %dma_wait3A_520] : memref<131072x128xf32, #tpu.memory_space<hbm>> -> memref<128x128xf32, #tpu.memory_space<hbm>>
    %dma_wait3A_522 = arith.constant 0 : i32
    %dma_wait3A_523 = tpu.memref_slice %arg4[%add3A_519, %dma_wait3A_522] : memref<131072x128xf32, #tpu.memory_space<hbm>> -> memref<128x128xf32, #tpu.memory_space<hbm>>
    tpu.wait_dma2 semaphore(%arg24 : memref<!tpu.dma_semaphore, #tpu.memory_space<semaphore_mem>>) src(%arg12 : memref<128x128xf32, #tpu.memory_space<vmem>>) dst(%dma_wait3A_523 : memref<128x128xf32, #tpu.memory_space<hbm>>)
    %dma_start3A_524 = arith.constant 1408 : i32
    %dma_start3A_525 = tpu.memref_slice %arg6[%dma_start3A_524] : memref<4096xi32, #tpu.memory_space<vmem>> -> memref<128xi32, #tpu.memory_space<vmem>>
    %dma_start3A_526 = arith.constant 0 : i32
    %dma_start3A_527 = arith.constant 0 : i32
    %dma_start3A_528 = tpu.memref_slice %arg3[%dma_start3A_526, %dma_start3A_527] : memref<800000x128xf32, #tpu.memory_space<hbm>> -> memref<800000x128xf32, #tpu.memory_space<hbm>>
    tpu.enqueue_indirect_dma source(%dma_start3A_528 : memref<800000x128xf32, #tpu.memory_space<hbm>>) target(%arg12 : memref<128x128xf32, #tpu.memory_space<vmem>>) offsets(%dma_start3A_525 : memref<128xi32, #tpu.memory_space<vmem>>) semaphore(%arg18 : memref<!tpu.dma_semaphore, #tpu.memory_space<semaphore_mem>>)
    %dma_wait3A_529 = arith.constant 1024 : i32
    %dma_wait3A_530 = tpu.memref_slice %arg6[%dma_wait3A_529] : memref<4096xi32, #tpu.memory_space<vmem>> -> memref<128xi32, #tpu.memory_space<vmem>>
    %dma_wait3A_531 = arith.constant 0 : i32
    %dma_wait3A_532 = arith.constant 0 : i32
    %dma_wait3A_533 = tpu.memref_slice %arg3[%dma_wait3A_531, %dma_wait3A_532] : memref<800000x128xf32, #tpu.memory_space<hbm>> -> memref<800000x128xf32, #tpu.memory_space<hbm>>
    tpu.wait_indirect_dma semaphore(%arg15 : memref<!tpu.dma_semaphore, #tpu.memory_space<semaphore_mem>>) src(%dma_wait3A_533 : memref<800000x128xf32, #tpu.memory_space<hbm>>) dst(%arg9 : memref<128x128xf32, #tpu.memory_space<vmem>>)
    %add3A_534 = arith.constant 1024 : i32
    %add3A_535 = arith.addi %mul3A_2, %add3A_534 : i32
    %dma_start3A_536 = arith.constant 0 : i32
    %dma_start3A_537 = tpu.memref_slice %arg4[%add3A_535, %dma_start3A_536] : memref<131072x128xf32, #tpu.memory_space<hbm>> -> memref<128x128xf32, #tpu.memory_space<hbm>>
    %dma_start3A_538 = arith.constant 0 : i32
    %dma_start3A_539 = tpu.memref_slice %arg4[%add3A_535, %dma_start3A_538] : memref<131072x128xf32, #tpu.memory_space<hbm>> -> memref<128x128xf32, #tpu.memory_space<hbm>>
    tpu.enqueue_dma source(%arg9 : memref<128x128xf32, #tpu.memory_space<vmem>>) target(%dma_start3A_539 : memref<128x128xf32, #tpu.memory_space<hbm>>) target_semaphore(%arg21 : memref<!tpu.dma_semaphore, #tpu.memory_space<semaphore_mem>>)
    %add3A_540 = arith.constant 768 : i32
    %add3A_541 = arith.addi %mul3A_2, %add3A_540 : i32
    %dma_wait3A_542 = arith.constant 0 : i32
    %dma_wait3A_543 = tpu.memref_slice %arg4[%add3A_541, %dma_wait3A_542] : memref<131072x128xf32, #tpu.memory_space<hbm>> -> memref<128x128xf32, #tpu.memory_space<hbm>>
    %dma_wait3A_544 = arith.constant 0 : i32
    %dma_wait3A_545 = tpu.memref_slice %arg4[%add3A_541, %dma_wait3A_544] : memref<131072x128xf32, #tpu.memory_space<hbm>> -> memref<128x128xf32, #tpu.memory_space<hbm>>
    tpu.wait_dma2 semaphore(%arg19 : memref<!tpu.dma_semaphore, #tpu.memory_space<semaphore_mem>>) src(%arg7 : memref<128x128xf32, #tpu.memory_space<vmem>>) dst(%dma_wait3A_545 : memref<128x128xf32, #tpu.memory_space<hbm>>)
    %dma_start3A_546 = arith.constant 1536 : i32
    %dma_start3A_547 = tpu.memref_slice %arg6[%dma_start3A_546] : memref<4096xi32, #tpu.memory_space<vmem>> -> memref<128xi32, #tpu.memory_space<vmem>>
    %dma_start3A_548 = arith.constant 0 : i32
    %dma_start3A_549 = arith.constant 0 : i32
    %dma_start3A_550 = tpu.memref_slice %arg3[%dma_start3A_548, %dma_start3A_549] : memref<800000x128xf32, #tpu.memory_space<hbm>> -> memref<800000x128xf32, #tpu.memory_space<hbm>>
    tpu.enqueue_indirect_dma source(%dma_start3A_550 : memref<800000x128xf32, #tpu.memory_space<hbm>>) target(%arg7 : memref<128x128xf32, #tpu.memory_space<vmem>>) offsets(%dma_start3A_547 : memref<128xi32, #tpu.memory_space<vmem>>) semaphore(%arg13 : memref<!tpu.dma_semaphore, #tpu.memory_space<semaphore_mem>>)
    %dma_wait3A_551 = arith.constant 1152 : i32
    %dma_wait3A_552 = tpu.memref_slice %arg6[%dma_wait3A_551] : memref<4096xi32, #tpu.memory_space<vmem>> -> memref<128xi32, #tpu.memory_space<vmem>>
    %dma_wait3A_553 = arith.constant 0 : i32
    %dma_wait3A_554 = arith.constant 0 : i32
    %dma_wait3A_555 = tpu.memref_slice %arg3[%dma_wait3A_553, %dma_wait3A_554] : memref<800000x128xf32, #tpu.memory_space<hbm>> -> memref<800000x128xf32, #tpu.memory_space<hbm>>
    tpu.wait_indirect_dma semaphore(%arg16 : memref<!tpu.dma_semaphore, #tpu.memory_space<semaphore_mem>>) src(%dma_wait3A_555 : memref<800000x128xf32, #tpu.memory_space<hbm>>) dst(%arg10 : memref<128x128xf32, #tpu.memory_space<vmem>>)
    %add3A_556 = arith.constant 1152 : i32
    %add3A_557 = arith.addi %mul3A_2, %add3A_556 : i32
    %dma_start3A_558 = arith.constant 0 : i32
    %dma_start3A_559 = tpu.memref_slice %arg4[%add3A_557, %dma_start3A_558] : memref<131072x128xf32, #tpu.memory_space<hbm>> -> memref<128x128xf32, #tpu.memory_space<hbm>>
    %dma_start3A_560 = arith.constant 0 : i32
    %dma_start3A_561 = tpu.memref_slice %arg4[%add3A_557, %dma_start3A_560] : memref<131072x128xf32, #tpu.memory_space<hbm>> -> memref<128x128xf32, #tpu.memory_space<hbm>>
    tpu.enqueue_dma source(%arg10 : memref<128x128xf32, #tpu.memory_space<vmem>>) target(%dma_start3A_561 : memref<128x128xf32, #tpu.memory_space<hbm>>) target_semaphore(%arg22 : memref<!tpu.dma_semaphore, #tpu.memory_space<semaphore_mem>>)
    %add3A_562 = arith.constant 896 : i32
    %add3A_563 = arith.addi %mul3A_2, %add3A_562 : i32
    %dma_wait3A_564 = arith.constant 0 : i32
    %dma_wait3A_565 = tpu.memref_slice %arg4[%add3A_563, %dma_wait3A_564] : memref<131072x128xf32, #tpu.memory_space<hbm>> -> memref<128x128xf32, #tpu.memory_space<hbm>>
    %dma_wait3A_566 = arith.constant 0 : i32
    %dma_wait3A_567 = tpu.memref_slice %arg4[%add3A_563, %dma_wait3A_566] : memref<131072x128xf32, #tpu.memory_space<hbm>> -> memref<128x128xf32, #tpu.memory_space<hbm>>
    tpu.wait_dma2 semaphore(%arg20 : memref<!tpu.dma_semaphore, #tpu.memory_space<semaphore_mem>>) src(%arg8 : memref<128x128xf32, #tpu.memory_space<vmem>>) dst(%dma_wait3A_567 : memref<128x128xf32, #tpu.memory_space<hbm>>)
    %dma_start3A_568 = arith.constant 1664 : i32
    %dma_start3A_569 = tpu.memref_slice %arg6[%dma_start3A_568] : memref<4096xi32, #tpu.memory_space<vmem>> -> memref<128xi32, #tpu.memory_space<vmem>>
    %dma_start3A_570 = arith.constant 0 : i32
    %dma_start3A_571 = arith.constant 0 : i32
    %dma_start3A_572 = tpu.memref_slice %arg3[%dma_start3A_570, %dma_start3A_571] : memref<800000x128xf32, #tpu.memory_space<hbm>> -> memref<800000x128xf32, #tpu.memory_space<hbm>>
    tpu.enqueue_indirect_dma source(%dma_start3A_572 : memref<800000x128xf32, #tpu.memory_space<hbm>>) target(%arg8 : memref<128x128xf32, #tpu.memory_space<vmem>>) offsets(%dma_start3A_569 : memref<128xi32, #tpu.memory_space<vmem>>) semaphore(%arg14 : memref<!tpu.dma_semaphore, #tpu.memory_space<semaphore_mem>>)
    %dma_wait3A_573 = arith.constant 1280 : i32
    %dma_wait3A_574 = tpu.memref_slice %arg6[%dma_wait3A_573] : memref<4096xi32, #tpu.memory_space<vmem>> -> memref<128xi32, #tpu.memory_space<vmem>>
    %dma_wait3A_575 = arith.constant 0 : i32
    %dma_wait3A_576 = arith.constant 0 : i32
    %dma_wait3A_577 = tpu.memref_slice %arg3[%dma_wait3A_575, %dma_wait3A_576] : memref<800000x128xf32, #tpu.memory_space<hbm>> -> memref<800000x128xf32, #tpu.memory_space<hbm>>
    tpu.wait_indirect_dma semaphore(%arg17 : memref<!tpu.dma_semaphore, #tpu.memory_space<semaphore_mem>>) src(%dma_wait3A_577 : memref<800000x128xf32, #tpu.memory_space<hbm>>) dst(%arg11 : memref<128x128xf32, #tpu.memory_space<vmem>>)
    %add3A_578 = arith.constant 1280 : i32
    %add3A_579 = arith.addi %mul3A_2, %add3A_578 : i32
    %dma_start3A_580 = arith.constant 0 : i32
    %dma_start3A_581 = tpu.memref_slice %arg4[%add3A_579, %dma_start3A_580] : memref<131072x128xf32, #tpu.memory_space<hbm>> -> memref<128x128xf32, #tpu.memory_space<hbm>>
    %dma_start3A_582 = arith.constant 0 : i32
    %dma_start3A_583 = tpu.memref_slice %arg4[%add3A_579, %dma_start3A_582] : memref<131072x128xf32, #tpu.memory_space<hbm>> -> memref<128x128xf32, #tpu.memory_space<hbm>>
    tpu.enqueue_dma source(%arg11 : memref<128x128xf32, #tpu.memory_space<vmem>>) target(%dma_start3A_583 : memref<128x128xf32, #tpu.memory_space<hbm>>) target_semaphore(%arg23 : memref<!tpu.dma_semaphore, #tpu.memory_space<semaphore_mem>>)
    %add3A_584 = arith.constant 1024 : i32
    %add3A_585 = arith.addi %mul3A_2, %add3A_584 : i32
    %dma_wait3A_586 = arith.constant 0 : i32
    %dma_wait3A_587 = tpu.memref_slice %arg4[%add3A_585, %dma_wait3A_586] : memref<131072x128xf32, #tpu.memory_space<hbm>> -> memref<128x128xf32, #tpu.memory_space<hbm>>
    %dma_wait3A_588 = arith.constant 0 : i32
    %dma_wait3A_589 = tpu.memref_slice %arg4[%add3A_585, %dma_wait3A_588] : memref<131072x128xf32, #tpu.memory_space<hbm>> -> memref<128x128xf32, #tpu.memory_space<hbm>>
    tpu.wait_dma2 semaphore(%arg21 : memref<!tpu.dma_semaphore, #tpu.memory_space<semaphore_mem>>) src(%arg9 : memref<128x128xf32, #tpu.memory_space<vmem>>) dst(%dma_wait3A_589 : memref<128x128xf32, #tpu.memory_space<hbm>>)
    %dma_start3A_590 = arith.constant 1792 : i32
    %dma_start3A_591 = tpu.memref_slice %arg6[%dma_start3A_590] : memref<4096xi32, #tpu.memory_space<vmem>> -> memref<128xi32, #tpu.memory_space<vmem>>
    %dma_start3A_592 = arith.constant 0 : i32
    %dma_start3A_593 = arith.constant 0 : i32
    %dma_start3A_594 = tpu.memref_slice %arg3[%dma_start3A_592, %dma_start3A_593] : memref<800000x128xf32, #tpu.memory_space<hbm>> -> memref<800000x128xf32, #tpu.memory_space<hbm>>
    tpu.enqueue_indirect_dma source(%dma_start3A_594 : memref<800000x128xf32, #tpu.memory_space<hbm>>) target(%arg9 : memref<128x128xf32, #tpu.memory_space<vmem>>) offsets(%dma_start3A_591 : memref<128xi32, #tpu.memory_space<vmem>>) semaphore(%arg15 : memref<!tpu.dma_semaphore, #tpu.memory_space<semaphore_mem>>)
    %dma_wait3A_595 = arith.constant 1408 : i32
    %dma_wait3A_596 = tpu.memref_slice %arg6[%dma_wait3A_595] : memref<4096xi32, #tpu.memory_space<vmem>> -> memref<128xi32, #tpu.memory_space<vmem>>
    %dma_wait3A_597 = arith.constant 0 : i32
    %dma_wait3A_598 = arith.constant 0 : i32
    %dma_wait3A_599 = tpu.memref_slice %arg3[%dma_wait3A_597, %dma_wait3A_598] : memref<800000x128xf32, #tpu.memory_space<hbm>> -> memref<800000x128xf32, #tpu.memory_space<hbm>>
    tpu.wait_indirect_dma semaphore(%arg18 : memref<!tpu.dma_semaphore, #tpu.memory_space<semaphore_mem>>) src(%dma_wait3A_599 : memref<800000x128xf32, #tpu.memory_space<hbm>>) dst(%arg12 : memref<128x128xf32, #tpu.memory_space<vmem>>)
    %add3A_600 = arith.constant 1408 : i32
    %add3A_601 = arith.addi %mul3A_2, %add3A_600 : i32
    %dma_start3A_602 = arith.constant 0 : i32
    %dma_start3A_603 = tpu.memref_slice %arg4[%add3A_601, %dma_start3A_602] : memref<131072x128xf32, #tpu.memory_space<hbm>> -> memref<128x128xf32, #tpu.memory_space<hbm>>
    %dma_start3A_604 = arith.constant 0 : i32
    %dma_start3A_605 = tpu.memref_slice %arg4[%add3A_601, %dma_start3A_604] : memref<131072x128xf32, #tpu.memory_space<hbm>> -> memref<128x128xf32, #tpu.memory_space<hbm>>
    tpu.enqueue_dma source(%arg12 : memref<128x128xf32, #tpu.memory_space<vmem>>) target(%dma_start3A_605 : memref<128x128xf32, #tpu.memory_space<hbm>>) target_semaphore(%arg24 : memref<!tpu.dma_semaphore, #tpu.memory_space<semaphore_mem>>)
    %add3A_606 = arith.constant 1152 : i32
    %add3A_607 = arith.addi %mul3A_2, %add3A_606 : i32
    %dma_wait3A_608 = arith.constant 0 : i32
    %dma_wait3A_609 = tpu.memref_slice %arg4[%add3A_607, %dma_wait3A_608] : memref<131072x128xf32, #tpu.memory_space<hbm>> -> memref<128x128xf32, #tpu.memory_space<hbm>>
    %dma_wait3A_610 = arith.constant 0 : i32
    %dma_wait3A_611 = tpu.memref_slice %arg4[%add3A_607, %dma_wait3A_610] : memref<131072x128xf32, #tpu.memory_space<hbm>> -> memref<128x128xf32, #tpu.memory_space<hbm>>
    tpu.wait_dma2 semaphore(%arg22 : memref<!tpu.dma_semaphore, #tpu.memory_space<semaphore_mem>>) src(%arg10 : memref<128x128xf32, #tpu.memory_space<vmem>>) dst(%dma_wait3A_611 : memref<128x128xf32, #tpu.memory_space<hbm>>)
    %dma_start3A_612 = arith.constant 1920 : i32
    %dma_start3A_613 = tpu.memref_slice %arg6[%dma_start3A_612] : memref<4096xi32, #tpu.memory_space<vmem>> -> memref<128xi32, #tpu.memory_space<vmem>>
    %dma_start3A_614 = arith.constant 0 : i32
    %dma_start3A_615 = arith.constant 0 : i32
    %dma_start3A_616 = tpu.memref_slice %arg3[%dma_start3A_614, %dma_start3A_615] : memref<800000x128xf32, #tpu.memory_space<hbm>> -> memref<800000x128xf32, #tpu.memory_space<hbm>>
    tpu.enqueue_indirect_dma source(%dma_start3A_616 : memref<800000x128xf32, #tpu.memory_space<hbm>>) target(%arg10 : memref<128x128xf32, #tpu.memory_space<vmem>>) offsets(%dma_start3A_613 : memref<128xi32, #tpu.memory_space<vmem>>) semaphore(%arg16 : memref<!tpu.dma_semaphore, #tpu.memory_space<semaphore_mem>>)
    %dma_wait3A_617 = arith.constant 1536 : i32
    %dma_wait3A_618 = tpu.memref_slice %arg6[%dma_wait3A_617] : memref<4096xi32, #tpu.memory_space<vmem>> -> memref<128xi32, #tpu.memory_space<vmem>>
    %dma_wait3A_619 = arith.constant 0 : i32
    %dma_wait3A_620 = arith.constant 0 : i32
    %dma_wait3A_621 = tpu.memref_slice %arg3[%dma_wait3A_619, %dma_wait3A_620] : memref<800000x128xf32, #tpu.memory_space<hbm>> -> memref<800000x128xf32, #tpu.memory_space<hbm>>
    tpu.wait_indirect_dma semaphore(%arg13 : memref<!tpu.dma_semaphore, #tpu.memory_space<semaphore_mem>>) src(%dma_wait3A_621 : memref<800000x128xf32, #tpu.memory_space<hbm>>) dst(%arg7 : memref<128x128xf32, #tpu.memory_space<vmem>>)
    %add3A_622 = arith.constant 1536 : i32
    %add3A_623 = arith.addi %mul3A_2, %add3A_622 : i32
    %dma_start3A_624 = arith.constant 0 : i32
    %dma_start3A_625 = tpu.memref_slice %arg4[%add3A_623, %dma_start3A_624] : memref<131072x128xf32, #tpu.memory_space<hbm>> -> memref<128x128xf32, #tpu.memory_space<hbm>>
    %dma_start3A_626 = arith.constant 0 : i32
    %dma_start3A_627 = tpu.memref_slice %arg4[%add3A_623, %dma_start3A_626] : memref<131072x128xf32, #tpu.memory_space<hbm>> -> memref<128x128xf32, #tpu.memory_space<hbm>>
    tpu.enqueue_dma source(%arg7 : memref<128x128xf32, #tpu.memory_space<vmem>>) target(%dma_start3A_627 : memref<128x128xf32, #tpu.memory_space<hbm>>) target_semaphore(%arg19 : memref<!tpu.dma_semaphore, #tpu.memory_space<semaphore_mem>>)
    %add3A_628 = arith.constant 1280 : i32
    %add3A_629 = arith.addi %mul3A_2, %add3A_628 : i32
    %dma_wait3A_630 = arith.constant 0 : i32
    %dma_wait3A_631 = tpu.memref_slice %arg4[%add3A_629, %dma_wait3A_630] : memref<131072x128xf32, #tpu.memory_space<hbm>> -> memref<128x128xf32, #tpu.memory_space<hbm>>
    %dma_wait3A_632 = arith.constant 0 : i32
    %dma_wait3A_633 = tpu.memref_slice %arg4[%add3A_629, %dma_wait3A_632] : memref<131072x128xf32, #tpu.memory_space<hbm>> -> memref<128x128xf32, #tpu.memory_space<hbm>>
    tpu.wait_dma2 semaphore(%arg23 : memref<!tpu.dma_semaphore, #tpu.memory_space<semaphore_mem>>) src(%arg11 : memref<128x128xf32, #tpu.memory_space<vmem>>) dst(%dma_wait3A_633 : memref<128x128xf32, #tpu.memory_space<hbm>>)
    %dma_start3A_634 = arith.constant 2048 : i32
    %dma_start3A_635 = tpu.memref_slice %arg6[%dma_start3A_634] : memref<4096xi32, #tpu.memory_space<vmem>> -> memref<128xi32, #tpu.memory_space<vmem>>
    %dma_start3A_636 = arith.constant 0 : i32
    %dma_start3A_637 = arith.constant 0 : i32
    %dma_start3A_638 = tpu.memref_slice %arg3[%dma_start3A_636, %dma_start3A_637] : memref<800000x128xf32, #tpu.memory_space<hbm>> -> memref<800000x128xf32, #tpu.memory_space<hbm>>
    tpu.enqueue_indirect_dma source(%dma_start3A_638 : memref<800000x128xf32, #tpu.memory_space<hbm>>) target(%arg11 : memref<128x128xf32, #tpu.memory_space<vmem>>) offsets(%dma_start3A_635 : memref<128xi32, #tpu.memory_space<vmem>>) semaphore(%arg17 : memref<!tpu.dma_semaphore, #tpu.memory_space<semaphore_mem>>)
    %dma_wait3A_639 = arith.constant 1664 : i32
    %dma_wait3A_640 = tpu.memref_slice %arg6[%dma_wait3A_639] : memref<4096xi32, #tpu.memory_space<vmem>> -> memref<128xi32, #tpu.memory_space<vmem>>
    %dma_wait3A_641 = arith.constant 0 : i32
    %dma_wait3A_642 = arith.constant 0 : i32
    %dma_wait3A_643 = tpu.memref_slice %arg3[%dma_wait3A_641, %dma_wait3A_642] : memref<800000x128xf32, #tpu.memory_space<hbm>> -> memref<800000x128xf32, #tpu.memory_space<hbm>>
    tpu.wait_indirect_dma semaphore(%arg14 : memref<!tpu.dma_semaphore, #tpu.memory_space<semaphore_mem>>) src(%dma_wait3A_643 : memref<800000x128xf32, #tpu.memory_space<hbm>>) dst(%arg8 : memref<128x128xf32, #tpu.memory_space<vmem>>)
    %add3A_644 = arith.constant 1664 : i32
    %add3A_645 = arith.addi %mul3A_2, %add3A_644 : i32
    %dma_start3A_646 = arith.constant 0 : i32
    %dma_start3A_647 = tpu.memref_slice %arg4[%add3A_645, %dma_start3A_646] : memref<131072x128xf32, #tpu.memory_space<hbm>> -> memref<128x128xf32, #tpu.memory_space<hbm>>
    %dma_start3A_648 = arith.constant 0 : i32
    %dma_start3A_649 = tpu.memref_slice %arg4[%add3A_645, %dma_start3A_648] : memref<131072x128xf32, #tpu.memory_space<hbm>> -> memref<128x128xf32, #tpu.memory_space<hbm>>
    tpu.enqueue_dma source(%arg8 : memref<128x128xf32, #tpu.memory_space<vmem>>) target(%dma_start3A_649 : memref<128x128xf32, #tpu.memory_space<hbm>>) target_semaphore(%arg20 : memref<!tpu.dma_semaphore, #tpu.memory_space<semaphore_mem>>)
    %add3A_650 = arith.constant 1408 : i32
    %add3A_651 = arith.addi %mul3A_2, %add3A_650 : i32
    %dma_wait3A_652 = arith.constant 0 : i32
    %dma_wait3A_653 = tpu.memref_slice %arg4[%add3A_651, %dma_wait3A_652] : memref<131072x128xf32, #tpu.memory_space<hbm>> -> memref<128x128xf32, #tpu.memory_space<hbm>>
    %dma_wait3A_654 = arith.constant 0 : i32
    %dma_wait3A_655 = tpu.memref_slice %arg4[%add3A_651, %dma_wait3A_654] : memref<131072x128xf32, #tpu.memory_space<hbm>> -> memref<128x128xf32, #tpu.memory_space<hbm>>
    tpu.wait_dma2 semaphore(%arg24 : memref<!tpu.dma_semaphore, #tpu.memory_space<semaphore_mem>>) src(%arg12 : memref<128x128xf32, #tpu.memory_space<vmem>>) dst(%dma_wait3A_655 : memref<128x128xf32, #tpu.memory_space<hbm>>)
    %dma_start3A_656 = arith.constant 2176 : i32
    %dma_start3A_657 = tpu.memref_slice %arg6[%dma_start3A_656] : memref<4096xi32, #tpu.memory_space<vmem>> -> memref<128xi32, #tpu.memory_space<vmem>>
    %dma_start3A_658 = arith.constant 0 : i32
    %dma_start3A_659 = arith.constant 0 : i32
    %dma_start3A_660 = tpu.memref_slice %arg3[%dma_start3A_658, %dma_start3A_659] : memref<800000x128xf32, #tpu.memory_space<hbm>> -> memref<800000x128xf32, #tpu.memory_space<hbm>>
    tpu.enqueue_indirect_dma source(%dma_start3A_660 : memref<800000x128xf32, #tpu.memory_space<hbm>>) target(%arg12 : memref<128x128xf32, #tpu.memory_space<vmem>>) offsets(%dma_start3A_657 : memref<128xi32, #tpu.memory_space<vmem>>) semaphore(%arg18 : memref<!tpu.dma_semaphore, #tpu.memory_space<semaphore_mem>>)
    %dma_wait3A_661 = arith.constant 1792 : i32
    %dma_wait3A_662 = tpu.memref_slice %arg6[%dma_wait3A_661] : memref<4096xi32, #tpu.memory_space<vmem>> -> memref<128xi32, #tpu.memory_space<vmem>>
    %dma_wait3A_663 = arith.constant 0 : i32
    %dma_wait3A_664 = arith.constant 0 : i32
    %dma_wait3A_665 = tpu.memref_slice %arg3[%dma_wait3A_663, %dma_wait3A_664] : memref<800000x128xf32, #tpu.memory_space<hbm>> -> memref<800000x128xf32, #tpu.memory_space<hbm>>
    tpu.wait_indirect_dma semaphore(%arg15 : memref<!tpu.dma_semaphore, #tpu.memory_space<semaphore_mem>>) src(%dma_wait3A_665 : memref<800000x128xf32, #tpu.memory_space<hbm>>) dst(%arg9 : memref<128x128xf32, #tpu.memory_space<vmem>>)
    %add3A_666 = arith.constant 1792 : i32
    %add3A_667 = arith.addi %mul3A_2, %add3A_666 : i32
    %dma_start3A_668 = arith.constant 0 : i32
    %dma_start3A_669 = tpu.memref_slice %arg4[%add3A_667, %dma_start3A_668] : memref<131072x128xf32, #tpu.memory_space<hbm>> -> memref<128x128xf32, #tpu.memory_space<hbm>>
    %dma_start3A_670 = arith.constant 0 : i32
    %dma_start3A_671 = tpu.memref_slice %arg4[%add3A_667, %dma_start3A_670] : memref<131072x128xf32, #tpu.memory_space<hbm>> -> memref<128x128xf32, #tpu.memory_space<hbm>>
    tpu.enqueue_dma source(%arg9 : memref<128x128xf32, #tpu.memory_space<vmem>>) target(%dma_start3A_671 : memref<128x128xf32, #tpu.memory_space<hbm>>) target_semaphore(%arg21 : memref<!tpu.dma_semaphore, #tpu.memory_space<semaphore_mem>>)
    %add3A_672 = arith.constant 1536 : i32
    %add3A_673 = arith.addi %mul3A_2, %add3A_672 : i32
    %dma_wait3A_674 = arith.constant 0 : i32
    %dma_wait3A_675 = tpu.memref_slice %arg4[%add3A_673, %dma_wait3A_674] : memref<131072x128xf32, #tpu.memory_space<hbm>> -> memref<128x128xf32, #tpu.memory_space<hbm>>
    %dma_wait3A_676 = arith.constant 0 : i32
    %dma_wait3A_677 = tpu.memref_slice %arg4[%add3A_673, %dma_wait3A_676] : memref<131072x128xf32, #tpu.memory_space<hbm>> -> memref<128x128xf32, #tpu.memory_space<hbm>>
    tpu.wait_dma2 semaphore(%arg19 : memref<!tpu.dma_semaphore, #tpu.memory_space<semaphore_mem>>) src(%arg7 : memref<128x128xf32, #tpu.memory_space<vmem>>) dst(%dma_wait3A_677 : memref<128x128xf32, #tpu.memory_space<hbm>>)
    %dma_start3A_678 = arith.constant 2304 : i32
    %dma_start3A_679 = tpu.memref_slice %arg6[%dma_start3A_678] : memref<4096xi32, #tpu.memory_space<vmem>> -> memref<128xi32, #tpu.memory_space<vmem>>
    %dma_start3A_680 = arith.constant 0 : i32
    %dma_start3A_681 = arith.constant 0 : i32
    %dma_start3A_682 = tpu.memref_slice %arg3[%dma_start3A_680, %dma_start3A_681] : memref<800000x128xf32, #tpu.memory_space<hbm>> -> memref<800000x128xf32, #tpu.memory_space<hbm>>
    tpu.enqueue_indirect_dma source(%dma_start3A_682 : memref<800000x128xf32, #tpu.memory_space<hbm>>) target(%arg7 : memref<128x128xf32, #tpu.memory_space<vmem>>) offsets(%dma_start3A_679 : memref<128xi32, #tpu.memory_space<vmem>>) semaphore(%arg13 : memref<!tpu.dma_semaphore, #tpu.memory_space<semaphore_mem>>)
    %dma_wait3A_683 = arith.constant 1920 : i32
    %dma_wait3A_684 = tpu.memref_slice %arg6[%dma_wait3A_683] : memref<4096xi32, #tpu.memory_space<vmem>> -> memref<128xi32, #tpu.memory_space<vmem>>
    %dma_wait3A_685 = arith.constant 0 : i32
    %dma_wait3A_686 = arith.constant 0 : i32
    %dma_wait3A_687 = tpu.memref_slice %arg3[%dma_wait3A_685, %dma_wait3A_686] : memref<800000x128xf32, #tpu.memory_space<hbm>> -> memref<800000x128xf32, #tpu.memory_space<hbm>>
    tpu.wait_indirect_dma semaphore(%arg16 : memref<!tpu.dma_semaphore, #tpu.memory_space<semaphore_mem>>) src(%dma_wait3A_687 : memref<800000x128xf32, #tpu.memory_space<hbm>>) dst(%arg10 : memref<128x128xf32, #tpu.memory_space<vmem>>)
    %add3A_688 = arith.constant 1920 : i32
    %add3A_689 = arith.addi %mul3A_2, %add3A_688 : i32
    %dma_start3A_690 = arith.constant 0 : i32
    %dma_start3A_691 = tpu.memref_slice %arg4[%add3A_689, %dma_start3A_690] : memref<131072x128xf32, #tpu.memory_space<hbm>> -> memref<128x128xf32, #tpu.memory_space<hbm>>
    %dma_start3A_692 = arith.constant 0 : i32
    %dma_start3A_693 = tpu.memref_slice %arg4[%add3A_689, %dma_start3A_692] : memref<131072x128xf32, #tpu.memory_space<hbm>> -> memref<128x128xf32, #tpu.memory_space<hbm>>
    tpu.enqueue_dma source(%arg10 : memref<128x128xf32, #tpu.memory_space<vmem>>) target(%dma_start3A_693 : memref<128x128xf32, #tpu.memory_space<hbm>>) target_semaphore(%arg22 : memref<!tpu.dma_semaphore, #tpu.memory_space<semaphore_mem>>)
    %add3A_694 = arith.constant 1664 : i32
    %add3A_695 = arith.addi %mul3A_2, %add3A_694 : i32
    %dma_wait3A_696 = arith.constant 0 : i32
    %dma_wait3A_697 = tpu.memref_slice %arg4[%add3A_695, %dma_wait3A_696] : memref<131072x128xf32, #tpu.memory_space<hbm>> -> memref<128x128xf32, #tpu.memory_space<hbm>>
    %dma_wait3A_698 = arith.constant 0 : i32
    %dma_wait3A_699 = tpu.memref_slice %arg4[%add3A_695, %dma_wait3A_698] : memref<131072x128xf32, #tpu.memory_space<hbm>> -> memref<128x128xf32, #tpu.memory_space<hbm>>
    tpu.wait_dma2 semaphore(%arg20 : memref<!tpu.dma_semaphore, #tpu.memory_space<semaphore_mem>>) src(%arg8 : memref<128x128xf32, #tpu.memory_space<vmem>>) dst(%dma_wait3A_699 : memref<128x128xf32, #tpu.memory_space<hbm>>)
    %dma_start3A_700 = arith.constant 2432 : i32
    %dma_start3A_701 = tpu.memref_slice %arg6[%dma_start3A_700] : memref<4096xi32, #tpu.memory_space<vmem>> -> memref<128xi32, #tpu.memory_space<vmem>>
    %dma_start3A_702 = arith.constant 0 : i32
    %dma_start3A_703 = arith.constant 0 : i32
    %dma_start3A_704 = tpu.memref_slice %arg3[%dma_start3A_702, %dma_start3A_703] : memref<800000x128xf32, #tpu.memory_space<hbm>> -> memref<800000x128xf32, #tpu.memory_space<hbm>>
    tpu.enqueue_indirect_dma source(%dma_start3A_704 : memref<800000x128xf32, #tpu.memory_space<hbm>>) target(%arg8 : memref<128x128xf32, #tpu.memory_space<vmem>>) offsets(%dma_start3A_701 : memref<128xi32, #tpu.memory_space<vmem>>) semaphore(%arg14 : memref<!tpu.dma_semaphore, #tpu.memory_space<semaphore_mem>>)
    %dma_wait3A_705 = arith.constant 2048 : i32
    %dma_wait3A_706 = tpu.memref_slice %arg6[%dma_wait3A_705] : memref<4096xi32, #tpu.memory_space<vmem>> -> memref<128xi32, #tpu.memory_space<vmem>>
    %dma_wait3A_707 = arith.constant 0 : i32
    %dma_wait3A_708 = arith.constant 0 : i32
    %dma_wait3A_709 = tpu.memref_slice %arg3[%dma_wait3A_707, %dma_wait3A_708] : memref<800000x128xf32, #tpu.memory_space<hbm>> -> memref<800000x128xf32, #tpu.memory_space<hbm>>
    tpu.wait_indirect_dma semaphore(%arg17 : memref<!tpu.dma_semaphore, #tpu.memory_space<semaphore_mem>>) src(%dma_wait3A_709 : memref<800000x128xf32, #tpu.memory_space<hbm>>) dst(%arg11 : memref<128x128xf32, #tpu.memory_space<vmem>>)
    %add3A_710 = arith.constant 2048 : i32
    %add3A_711 = arith.addi %mul3A_2, %add3A_710 : i32
    %dma_start3A_712 = arith.constant 0 : i32
    %dma_start3A_713 = tpu.memref_slice %arg4[%add3A_711, %dma_start3A_712] : memref<131072x128xf32, #tpu.memory_space<hbm>> -> memref<128x128xf32, #tpu.memory_space<hbm>>
    %dma_start3A_714 = arith.constant 0 : i32
    %dma_start3A_715 = tpu.memref_slice %arg4[%add3A_711, %dma_start3A_714] : memref<131072x128xf32, #tpu.memory_space<hbm>> -> memref<128x128xf32, #tpu.memory_space<hbm>>
    tpu.enqueue_dma source(%arg11 : memref<128x128xf32, #tpu.memory_space<vmem>>) target(%dma_start3A_715 : memref<128x128xf32, #tpu.memory_space<hbm>>) target_semaphore(%arg23 : memref<!tpu.dma_semaphore, #tpu.memory_space<semaphore_mem>>)
    %add3A_716 = arith.constant 1792 : i32
    %add3A_717 = arith.addi %mul3A_2, %add3A_716 : i32
    %dma_wait3A_718 = arith.constant 0 : i32
    %dma_wait3A_719 = tpu.memref_slice %arg4[%add3A_717, %dma_wait3A_718] : memref<131072x128xf32, #tpu.memory_space<hbm>> -> memref<128x128xf32, #tpu.memory_space<hbm>>
    %dma_wait3A_720 = arith.constant 0 : i32
    %dma_wait3A_721 = tpu.memref_slice %arg4[%add3A_717, %dma_wait3A_720] : memref<131072x128xf32, #tpu.memory_space<hbm>> -> memref<128x128xf32, #tpu.memory_space<hbm>>
    tpu.wait_dma2 semaphore(%arg21 : memref<!tpu.dma_semaphore, #tpu.memory_space<semaphore_mem>>) src(%arg9 : memref<128x128xf32, #tpu.memory_space<vmem>>) dst(%dma_wait3A_721 : memref<128x128xf32, #tpu.memory_space<hbm>>)
    %dma_start3A_722 = arith.constant 2560 : i32
    %dma_start3A_723 = tpu.memref_slice %arg6[%dma_start3A_722] : memref<4096xi32, #tpu.memory_space<vmem>> -> memref<128xi32, #tpu.memory_space<vmem>>
    %dma_start3A_724 = arith.constant 0 : i32
    %dma_start3A_725 = arith.constant 0 : i32
    %dma_start3A_726 = tpu.memref_slice %arg3[%dma_start3A_724, %dma_start3A_725] : memref<800000x128xf32, #tpu.memory_space<hbm>> -> memref<800000x128xf32, #tpu.memory_space<hbm>>
    tpu.enqueue_indirect_dma source(%dma_start3A_726 : memref<800000x128xf32, #tpu.memory_space<hbm>>) target(%arg9 : memref<128x128xf32, #tpu.memory_space<vmem>>) offsets(%dma_start3A_723 : memref<128xi32, #tpu.memory_space<vmem>>) semaphore(%arg15 : memref<!tpu.dma_semaphore, #tpu.memory_space<semaphore_mem>>)
    %dma_wait3A_727 = arith.constant 2176 : i32
    %dma_wait3A_728 = tpu.memref_slice %arg6[%dma_wait3A_727] : memref<4096xi32, #tpu.memory_space<vmem>> -> memref<128xi32, #tpu.memory_space<vmem>>
    %dma_wait3A_729 = arith.constant 0 : i32
    %dma_wait3A_730 = arith.constant 0 : i32
    %dma_wait3A_731 = tpu.memref_slice %arg3[%dma_wait3A_729, %dma_wait3A_730] : memref<800000x128xf32, #tpu.memory_space<hbm>> -> memref<800000x128xf32, #tpu.memory_space<hbm>>
    tpu.wait_indirect_dma semaphore(%arg18 : memref<!tpu.dma_semaphore, #tpu.memory_space<semaphore_mem>>) src(%dma_wait3A_731 : memref<800000x128xf32, #tpu.memory_space<hbm>>) dst(%arg12 : memref<128x128xf32, #tpu.memory_space<vmem>>)
    %add3A_732 = arith.constant 2176 : i32
    %add3A_733 = arith.addi %mul3A_2, %add3A_732 : i32
    %dma_start3A_734 = arith.constant 0 : i32
    %dma_start3A_735 = tpu.memref_slice %arg4[%add3A_733, %dma_start3A_734] : memref<131072x128xf32, #tpu.memory_space<hbm>> -> memref<128x128xf32, #tpu.memory_space<hbm>>
    %dma_start3A_736 = arith.constant 0 : i32
    %dma_start3A_737 = tpu.memref_slice %arg4[%add3A_733, %dma_start3A_736] : memref<131072x128xf32, #tpu.memory_space<hbm>> -> memref<128x128xf32, #tpu.memory_space<hbm>>
    tpu.enqueue_dma source(%arg12 : memref<128x128xf32, #tpu.memory_space<vmem>>) target(%dma_start3A_737 : memref<128x128xf32, #tpu.memory_space<hbm>>) target_semaphore(%arg24 : memref<!tpu.dma_semaphore, #tpu.memory_space<semaphore_mem>>)
    %add3A_738 = arith.constant 1920 : i32
    %add3A_739 = arith.addi %mul3A_2, %add3A_738 : i32
    %dma_wait3A_740 = arith.constant 0 : i32
    %dma_wait3A_741 = tpu.memref_slice %arg4[%add3A_739, %dma_wait3A_740] : memref<131072x128xf32, #tpu.memory_space<hbm>> -> memref<128x128xf32, #tpu.memory_space<hbm>>
    %dma_wait3A_742 = arith.constant 0 : i32
    %dma_wait3A_743 = tpu.memref_slice %arg4[%add3A_739, %dma_wait3A_742] : memref<131072x128xf32, #tpu.memory_space<hbm>> -> memref<128x128xf32, #tpu.memory_space<hbm>>
    tpu.wait_dma2 semaphore(%arg22 : memref<!tpu.dma_semaphore, #tpu.memory_space<semaphore_mem>>) src(%arg10 : memref<128x128xf32, #tpu.memory_space<vmem>>) dst(%dma_wait3A_743 : memref<128x128xf32, #tpu.memory_space<hbm>>)
    %dma_start3A_744 = arith.constant 2688 : i32
    %dma_start3A_745 = tpu.memref_slice %arg6[%dma_start3A_744] : memref<4096xi32, #tpu.memory_space<vmem>> -> memref<128xi32, #tpu.memory_space<vmem>>
    %dma_start3A_746 = arith.constant 0 : i32
    %dma_start3A_747 = arith.constant 0 : i32
    %dma_start3A_748 = tpu.memref_slice %arg3[%dma_start3A_746, %dma_start3A_747] : memref<800000x128xf32, #tpu.memory_space<hbm>> -> memref<800000x128xf32, #tpu.memory_space<hbm>>
    tpu.enqueue_indirect_dma source(%dma_start3A_748 : memref<800000x128xf32, #tpu.memory_space<hbm>>) target(%arg10 : memref<128x128xf32, #tpu.memory_space<vmem>>) offsets(%dma_start3A_745 : memref<128xi32, #tpu.memory_space<vmem>>) semaphore(%arg16 : memref<!tpu.dma_semaphore, #tpu.memory_space<semaphore_mem>>)
    %dma_wait3A_749 = arith.constant 2304 : i32
    %dma_wait3A_750 = tpu.memref_slice %arg6[%dma_wait3A_749] : memref<4096xi32, #tpu.memory_space<vmem>> -> memref<128xi32, #tpu.memory_space<vmem>>
    %dma_wait3A_751 = arith.constant 0 : i32
    %dma_wait3A_752 = arith.constant 0 : i32
    %dma_wait3A_753 = tpu.memref_slice %arg3[%dma_wait3A_751, %dma_wait3A_752] : memref<800000x128xf32, #tpu.memory_space<hbm>> -> memref<800000x128xf32, #tpu.memory_space<hbm>>
    tpu.wait_indirect_dma semaphore(%arg13 : memref<!tpu.dma_semaphore, #tpu.memory_space<semaphore_mem>>) src(%dma_wait3A_753 : memref<800000x128xf32, #tpu.memory_space<hbm>>) dst(%arg7 : memref<128x128xf32, #tpu.memory_space<vmem>>)
    %add3A_754 = arith.constant 2304 : i32
    %add3A_755 = arith.addi %mul3A_2, %add3A_754 : i32
    %dma_start3A_756 = arith.constant 0 : i32
    %dma_start3A_757 = tpu.memref_slice %arg4[%add3A_755, %dma_start3A_756] : memref<131072x128xf32, #tpu.memory_space<hbm>> -> memref<128x128xf32, #tpu.memory_space<hbm>>
    %dma_start3A_758 = arith.constant 0 : i32
    %dma_start3A_759 = tpu.memref_slice %arg4[%add3A_755, %dma_start3A_758] : memref<131072x128xf32, #tpu.memory_space<hbm>> -> memref<128x128xf32, #tpu.memory_space<hbm>>
    tpu.enqueue_dma source(%arg7 : memref<128x128xf32, #tpu.memory_space<vmem>>) target(%dma_start3A_759 : memref<128x128xf32, #tpu.memory_space<hbm>>) target_semaphore(%arg19 : memref<!tpu.dma_semaphore, #tpu.memory_space<semaphore_mem>>)
    %add3A_760 = arith.constant 2048 : i32
    %add3A_761 = arith.addi %mul3A_2, %add3A_760 : i32
    %dma_wait3A_762 = arith.constant 0 : i32
    %dma_wait3A_763 = tpu.memref_slice %arg4[%add3A_761, %dma_wait3A_762] : memref<131072x128xf32, #tpu.memory_space<hbm>> -> memref<128x128xf32, #tpu.memory_space<hbm>>
    %dma_wait3A_764 = arith.constant 0 : i32
    %dma_wait3A_765 = tpu.memref_slice %arg4[%add3A_761, %dma_wait3A_764] : memref<131072x128xf32, #tpu.memory_space<hbm>> -> memref<128x128xf32, #tpu.memory_space<hbm>>
    tpu.wait_dma2 semaphore(%arg23 : memref<!tpu.dma_semaphore, #tpu.memory_space<semaphore_mem>>) src(%arg11 : memref<128x128xf32, #tpu.memory_space<vmem>>) dst(%dma_wait3A_765 : memref<128x128xf32, #tpu.memory_space<hbm>>)
    %dma_start3A_766 = arith.constant 2816 : i32
    %dma_start3A_767 = tpu.memref_slice %arg6[%dma_start3A_766] : memref<4096xi32, #tpu.memory_space<vmem>> -> memref<128xi32, #tpu.memory_space<vmem>>
    %dma_start3A_768 = arith.constant 0 : i32
    %dma_start3A_769 = arith.constant 0 : i32
    %dma_start3A_770 = tpu.memref_slice %arg3[%dma_start3A_768, %dma_start3A_769] : memref<800000x128xf32, #tpu.memory_space<hbm>> -> memref<800000x128xf32, #tpu.memory_space<hbm>>
    tpu.enqueue_indirect_dma source(%dma_start3A_770 : memref<800000x128xf32, #tpu.memory_space<hbm>>) target(%arg11 : memref<128x128xf32, #tpu.memory_space<vmem>>) offsets(%dma_start3A_767 : memref<128xi32, #tpu.memory_space<vmem>>) semaphore(%arg17 : memref<!tpu.dma_semaphore, #tpu.memory_space<semaphore_mem>>)
    %dma_wait3A_771 = arith.constant 2432 : i32
    %dma_wait3A_772 = tpu.memref_slice %arg6[%dma_wait3A_771] : memref<4096xi32, #tpu.memory_space<vmem>> -> memref<128xi32, #tpu.memory_space<vmem>>
    %dma_wait3A_773 = arith.constant 0 : i32
    %dma_wait3A_774 = arith.constant 0 : i32
    %dma_wait3A_775 = tpu.memref_slice %arg3[%dma_wait3A_773, %dma_wait3A_774] : memref<800000x128xf32, #tpu.memory_space<hbm>> -> memref<800000x128xf32, #tpu.memory_space<hbm>>
    tpu.wait_indirect_dma semaphore(%arg14 : memref<!tpu.dma_semaphore, #tpu.memory_space<semaphore_mem>>) src(%dma_wait3A_775 : memref<800000x128xf32, #tpu.memory_space<hbm>>) dst(%arg8 : memref<128x128xf32, #tpu.memory_space<vmem>>)
    %add3A_776 = arith.constant 2432 : i32
    %add3A_777 = arith.addi %mul3A_2, %add3A_776 : i32
    %dma_start3A_778 = arith.constant 0 : i32
    %dma_start3A_779 = tpu.memref_slice %arg4[%add3A_777, %dma_start3A_778] : memref<131072x128xf32, #tpu.memory_space<hbm>> -> memref<128x128xf32, #tpu.memory_space<hbm>>
    %dma_start3A_780 = arith.constant 0 : i32
    %dma_start3A_781 = tpu.memref_slice %arg4[%add3A_777, %dma_start3A_780] : memref<131072x128xf32, #tpu.memory_space<hbm>> -> memref<128x128xf32, #tpu.memory_space<hbm>>
    tpu.enqueue_dma source(%arg8 : memref<128x128xf32, #tpu.memory_space<vmem>>) target(%dma_start3A_781 : memref<128x128xf32, #tpu.memory_space<hbm>>) target_semaphore(%arg20 : memref<!tpu.dma_semaphore, #tpu.memory_space<semaphore_mem>>)
    %add3A_782 = arith.constant 2176 : i32
    %add3A_783 = arith.addi %mul3A_2, %add3A_782 : i32
    %dma_wait3A_784 = arith.constant 0 : i32
    %dma_wait3A_785 = tpu.memref_slice %arg4[%add3A_783, %dma_wait3A_784] : memref<131072x128xf32, #tpu.memory_space<hbm>> -> memref<128x128xf32, #tpu.memory_space<hbm>>
    %dma_wait3A_786 = arith.constant 0 : i32
    %dma_wait3A_787 = tpu.memref_slice %arg4[%add3A_783, %dma_wait3A_786] : memref<131072x128xf32, #tpu.memory_space<hbm>> -> memref<128x128xf32, #tpu.memory_space<hbm>>
    tpu.wait_dma2 semaphore(%arg24 : memref<!tpu.dma_semaphore, #tpu.memory_space<semaphore_mem>>) src(%arg12 : memref<128x128xf32, #tpu.memory_space<vmem>>) dst(%dma_wait3A_787 : memref<128x128xf32, #tpu.memory_space<hbm>>)
    %dma_start3A_788 = arith.constant 2944 : i32
    %dma_start3A_789 = tpu.memref_slice %arg6[%dma_start3A_788] : memref<4096xi32, #tpu.memory_space<vmem>> -> memref<128xi32, #tpu.memory_space<vmem>>
    %dma_start3A_790 = arith.constant 0 : i32
    %dma_start3A_791 = arith.constant 0 : i32
    %dma_start3A_792 = tpu.memref_slice %arg3[%dma_start3A_790, %dma_start3A_791] : memref<800000x128xf32, #tpu.memory_space<hbm>> -> memref<800000x128xf32, #tpu.memory_space<hbm>>
    tpu.enqueue_indirect_dma source(%dma_start3A_792 : memref<800000x128xf32, #tpu.memory_space<hbm>>) target(%arg12 : memref<128x128xf32, #tpu.memory_space<vmem>>) offsets(%dma_start3A_789 : memref<128xi32, #tpu.memory_space<vmem>>) semaphore(%arg18 : memref<!tpu.dma_semaphore, #tpu.memory_space<semaphore_mem>>)
    %dma_wait3A_793 = arith.constant 2560 : i32
    %dma_wait3A_794 = tpu.memref_slice %arg6[%dma_wait3A_793] : memref<4096xi32, #tpu.memory_space<vmem>> -> memref<128xi32, #tpu.memory_space<vmem>>
    %dma_wait3A_795 = arith.constant 0 : i32
    %dma_wait3A_796 = arith.constant 0 : i32
    %dma_wait3A_797 = tpu.memref_slice %arg3[%dma_wait3A_795, %dma_wait3A_796] : memref<800000x128xf32, #tpu.memory_space<hbm>> -> memref<800000x128xf32, #tpu.memory_space<hbm>>
    tpu.wait_indirect_dma semaphore(%arg15 : memref<!tpu.dma_semaphore, #tpu.memory_space<semaphore_mem>>) src(%dma_wait3A_797 : memref<800000x128xf32, #tpu.memory_space<hbm>>) dst(%arg9 : memref<128x128xf32, #tpu.memory_space<vmem>>)
    %add3A_798 = arith.constant 2560 : i32
    %add3A_799 = arith.addi %mul3A_2, %add3A_798 : i32
    %dma_start3A_800 = arith.constant 0 : i32
    %dma_start3A_801 = tpu.memref_slice %arg4[%add3A_799, %dma_start3A_800] : memref<131072x128xf32, #tpu.memory_space<hbm>> -> memref<128x128xf32, #tpu.memory_space<hbm>>
    %dma_start3A_802 = arith.constant 0 : i32
    %dma_start3A_803 = tpu.memref_slice %arg4[%add3A_799, %dma_start3A_802] : memref<131072x128xf32, #tpu.memory_space<hbm>> -> memref<128x128xf32, #tpu.memory_space<hbm>>
    tpu.enqueue_dma source(%arg9 : memref<128x128xf32, #tpu.memory_space<vmem>>) target(%dma_start3A_803 : memref<128x128xf32, #tpu.memory_space<hbm>>) target_semaphore(%arg21 : memref<!tpu.dma_semaphore, #tpu.memory_space<semaphore_mem>>)
    %add3A_804 = arith.constant 2304 : i32
    %add3A_805 = arith.addi %mul3A_2, %add3A_804 : i32
    %dma_wait3A_806 = arith.constant 0 : i32
    %dma_wait3A_807 = tpu.memref_slice %arg4[%add3A_805, %dma_wait3A_806] : memref<131072x128xf32, #tpu.memory_space<hbm>> -> memref<128x128xf32, #tpu.memory_space<hbm>>
    %dma_wait3A_808 = arith.constant 0 : i32
    %dma_wait3A_809 = tpu.memref_slice %arg4[%add3A_805, %dma_wait3A_808] : memref<131072x128xf32, #tpu.memory_space<hbm>> -> memref<128x128xf32, #tpu.memory_space<hbm>>
    tpu.wait_dma2 semaphore(%arg19 : memref<!tpu.dma_semaphore, #tpu.memory_space<semaphore_mem>>) src(%arg7 : memref<128x128xf32, #tpu.memory_space<vmem>>) dst(%dma_wait3A_809 : memref<128x128xf32, #tpu.memory_space<hbm>>)
    %dma_start3A_810 = arith.constant 3072 : i32
    %dma_start3A_811 = tpu.memref_slice %arg6[%dma_start3A_810] : memref<4096xi32, #tpu.memory_space<vmem>> -> memref<128xi32, #tpu.memory_space<vmem>>
    %dma_start3A_812 = arith.constant 0 : i32
    %dma_start3A_813 = arith.constant 0 : i32
    %dma_start3A_814 = tpu.memref_slice %arg3[%dma_start3A_812, %dma_start3A_813] : memref<800000x128xf32, #tpu.memory_space<hbm>> -> memref<800000x128xf32, #tpu.memory_space<hbm>>
    tpu.enqueue_indirect_dma source(%dma_start3A_814 : memref<800000x128xf32, #tpu.memory_space<hbm>>) target(%arg7 : memref<128x128xf32, #tpu.memory_space<vmem>>) offsets(%dma_start3A_811 : memref<128xi32, #tpu.memory_space<vmem>>) semaphore(%arg13 : memref<!tpu.dma_semaphore, #tpu.memory_space<semaphore_mem>>)
    %dma_wait3A_815 = arith.constant 2688 : i32
    %dma_wait3A_816 = tpu.memref_slice %arg6[%dma_wait3A_815] : memref<4096xi32, #tpu.memory_space<vmem>> -> memref<128xi32, #tpu.memory_space<vmem>>
    %dma_wait3A_817 = arith.constant 0 : i32
    %dma_wait3A_818 = arith.constant 0 : i32
    %dma_wait3A_819 = tpu.memref_slice %arg3[%dma_wait3A_817, %dma_wait3A_818] : memref<800000x128xf32, #tpu.memory_space<hbm>> -> memref<800000x128xf32, #tpu.memory_space<hbm>>
    tpu.wait_indirect_dma semaphore(%arg16 : memref<!tpu.dma_semaphore, #tpu.memory_space<semaphore_mem>>) src(%dma_wait3A_819 : memref<800000x128xf32, #tpu.memory_space<hbm>>) dst(%arg10 : memref<128x128xf32, #tpu.memory_space<vmem>>)
    %add3A_820 = arith.constant 2688 : i32
    %add3A_821 = arith.addi %mul3A_2, %add3A_820 : i32
    %dma_start3A_822 = arith.constant 0 : i32
    %dma_start3A_823 = tpu.memref_slice %arg4[%add3A_821, %dma_start3A_822] : memref<131072x128xf32, #tpu.memory_space<hbm>> -> memref<128x128xf32, #tpu.memory_space<hbm>>
    %dma_start3A_824 = arith.constant 0 : i32
    %dma_start3A_825 = tpu.memref_slice %arg4[%add3A_821, %dma_start3A_824] : memref<131072x128xf32, #tpu.memory_space<hbm>> -> memref<128x128xf32, #tpu.memory_space<hbm>>
    tpu.enqueue_dma source(%arg10 : memref<128x128xf32, #tpu.memory_space<vmem>>) target(%dma_start3A_825 : memref<128x128xf32, #tpu.memory_space<hbm>>) target_semaphore(%arg22 : memref<!tpu.dma_semaphore, #tpu.memory_space<semaphore_mem>>)
    %add3A_826 = arith.constant 2432 : i32
    %add3A_827 = arith.addi %mul3A_2, %add3A_826 : i32
    %dma_wait3A_828 = arith.constant 0 : i32
    %dma_wait3A_829 = tpu.memref_slice %arg4[%add3A_827, %dma_wait3A_828] : memref<131072x128xf32, #tpu.memory_space<hbm>> -> memref<128x128xf32, #tpu.memory_space<hbm>>
    %dma_wait3A_830 = arith.constant 0 : i32
    %dma_wait3A_831 = tpu.memref_slice %arg4[%add3A_827, %dma_wait3A_830] : memref<131072x128xf32, #tpu.memory_space<hbm>> -> memref<128x128xf32, #tpu.memory_space<hbm>>
    tpu.wait_dma2 semaphore(%arg20 : memref<!tpu.dma_semaphore, #tpu.memory_space<semaphore_mem>>) src(%arg8 : memref<128x128xf32, #tpu.memory_space<vmem>>) dst(%dma_wait3A_831 : memref<128x128xf32, #tpu.memory_space<hbm>>)
    %dma_start3A_832 = arith.constant 3200 : i32
    %dma_start3A_833 = tpu.memref_slice %arg6[%dma_start3A_832] : memref<4096xi32, #tpu.memory_space<vmem>> -> memref<128xi32, #tpu.memory_space<vmem>>
    %dma_start3A_834 = arith.constant 0 : i32
    %dma_start3A_835 = arith.constant 0 : i32
    %dma_start3A_836 = tpu.memref_slice %arg3[%dma_start3A_834, %dma_start3A_835] : memref<800000x128xf32, #tpu.memory_space<hbm>> -> memref<800000x128xf32, #tpu.memory_space<hbm>>
    tpu.enqueue_indirect_dma source(%dma_start3A_836 : memref<800000x128xf32, #tpu.memory_space<hbm>>) target(%arg8 : memref<128x128xf32, #tpu.memory_space<vmem>>) offsets(%dma_start3A_833 : memref<128xi32, #tpu.memory_space<vmem>>) semaphore(%arg14 : memref<!tpu.dma_semaphore, #tpu.memory_space<semaphore_mem>>)
    %dma_wait3A_837 = arith.constant 2816 : i32
    %dma_wait3A_838 = tpu.memref_slice %arg6[%dma_wait3A_837] : memref<4096xi32, #tpu.memory_space<vmem>> -> memref<128xi32, #tpu.memory_space<vmem>>
    %dma_wait3A_839 = arith.constant 0 : i32
    %dma_wait3A_840 = arith.constant 0 : i32
    %dma_wait3A_841 = tpu.memref_slice %arg3[%dma_wait3A_839, %dma_wait3A_840] : memref<800000x128xf32, #tpu.memory_space<hbm>> -> memref<800000x128xf32, #tpu.memory_space<hbm>>
    tpu.wait_indirect_dma semaphore(%arg17 : memref<!tpu.dma_semaphore, #tpu.memory_space<semaphore_mem>>) src(%dma_wait3A_841 : memref<800000x128xf32, #tpu.memory_space<hbm>>) dst(%arg11 : memref<128x128xf32, #tpu.memory_space<vmem>>)
    %add3A_842 = arith.constant 2816 : i32
    %add3A_843 = arith.addi %mul3A_2, %add3A_842 : i32
    %dma_start3A_844 = arith.constant 0 : i32
    %dma_start3A_845 = tpu.memref_slice %arg4[%add3A_843, %dma_start3A_844] : memref<131072x128xf32, #tpu.memory_space<hbm>> -> memref<128x128xf32, #tpu.memory_space<hbm>>
    %dma_start3A_846 = arith.constant 0 : i32
    %dma_start3A_847 = tpu.memref_slice %arg4[%add3A_843, %dma_start3A_846] : memref<131072x128xf32, #tpu.memory_space<hbm>> -> memref<128x128xf32, #tpu.memory_space<hbm>>
    tpu.enqueue_dma source(%arg11 : memref<128x128xf32, #tpu.memory_space<vmem>>) target(%dma_start3A_847 : memref<128x128xf32, #tpu.memory_space<hbm>>) target_semaphore(%arg23 : memref<!tpu.dma_semaphore, #tpu.memory_space<semaphore_mem>>)
    %add3A_848 = arith.constant 2560 : i32
    %add3A_849 = arith.addi %mul3A_2, %add3A_848 : i32
    %dma_wait3A_850 = arith.constant 0 : i32
    %dma_wait3A_851 = tpu.memref_slice %arg4[%add3A_849, %dma_wait3A_850] : memref<131072x128xf32, #tpu.memory_space<hbm>> -> memref<128x128xf32, #tpu.memory_space<hbm>>
    %dma_wait3A_852 = arith.constant 0 : i32
    %dma_wait3A_853 = tpu.memref_slice %arg4[%add3A_849, %dma_wait3A_852] : memref<131072x128xf32, #tpu.memory_space<hbm>> -> memref<128x128xf32, #tpu.memory_space<hbm>>
    tpu.wait_dma2 semaphore(%arg21 : memref<!tpu.dma_semaphore, #tpu.memory_space<semaphore_mem>>) src(%arg9 : memref<128x128xf32, #tpu.memory_space<vmem>>) dst(%dma_wait3A_853 : memref<128x128xf32, #tpu.memory_space<hbm>>)
    %dma_start3A_854 = arith.constant 3328 : i32
    %dma_start3A_855 = tpu.memref_slice %arg6[%dma_start3A_854] : memref<4096xi32, #tpu.memory_space<vmem>> -> memref<128xi32, #tpu.memory_space<vmem>>
    %dma_start3A_856 = arith.constant 0 : i32
    %dma_start3A_857 = arith.constant 0 : i32
    %dma_start3A_858 = tpu.memref_slice %arg3[%dma_start3A_856, %dma_start3A_857] : memref<800000x128xf32, #tpu.memory_space<hbm>> -> memref<800000x128xf32, #tpu.memory_space<hbm>>
    tpu.enqueue_indirect_dma source(%dma_start3A_858 : memref<800000x128xf32, #tpu.memory_space<hbm>>) target(%arg9 : memref<128x128xf32, #tpu.memory_space<vmem>>) offsets(%dma_start3A_855 : memref<128xi32, #tpu.memory_space<vmem>>) semaphore(%arg15 : memref<!tpu.dma_semaphore, #tpu.memory_space<semaphore_mem>>)
    %dma_wait3A_859 = arith.constant 2944 : i32
    %dma_wait3A_860 = tpu.memref_slice %arg6[%dma_wait3A_859] : memref<4096xi32, #tpu.memory_space<vmem>> -> memref<128xi32, #tpu.memory_space<vmem>>
    %dma_wait3A_861 = arith.constant 0 : i32
    %dma_wait3A_862 = arith.constant 0 : i32
    %dma_wait3A_863 = tpu.memref_slice %arg3[%dma_wait3A_861, %dma_wait3A_862] : memref<800000x128xf32, #tpu.memory_space<hbm>> -> memref<800000x128xf32, #tpu.memory_space<hbm>>
    tpu.wait_indirect_dma semaphore(%arg18 : memref<!tpu.dma_semaphore, #tpu.memory_space<semaphore_mem>>) src(%dma_wait3A_863 : memref<800000x128xf32, #tpu.memory_space<hbm>>) dst(%arg12 : memref<128x128xf32, #tpu.memory_space<vmem>>)
    %add3A_864 = arith.constant 2944 : i32
    %add3A_865 = arith.addi %mul3A_2, %add3A_864 : i32
    %dma_start3A_866 = arith.constant 0 : i32
    %dma_start3A_867 = tpu.memref_slice %arg4[%add3A_865, %dma_start3A_866] : memref<131072x128xf32, #tpu.memory_space<hbm>> -> memref<128x128xf32, #tpu.memory_space<hbm>>
    %dma_start3A_868 = arith.constant 0 : i32
    %dma_start3A_869 = tpu.memref_slice %arg4[%add3A_865, %dma_start3A_868] : memref<131072x128xf32, #tpu.memory_space<hbm>> -> memref<128x128xf32, #tpu.memory_space<hbm>>
    tpu.enqueue_dma source(%arg12 : memref<128x128xf32, #tpu.memory_space<vmem>>) target(%dma_start3A_869 : memref<128x128xf32, #tpu.memory_space<hbm>>) target_semaphore(%arg24 : memref<!tpu.dma_semaphore, #tpu.memory_space<semaphore_mem>>)
    %add3A_870 = arith.constant 2688 : i32
    %add3A_871 = arith.addi %mul3A_2, %add3A_870 : i32
    %dma_wait3A_872 = arith.constant 0 : i32
    %dma_wait3A_873 = tpu.memref_slice %arg4[%add3A_871, %dma_wait3A_872] : memref<131072x128xf32, #tpu.memory_space<hbm>> -> memref<128x128xf32, #tpu.memory_space<hbm>>
    %dma_wait3A_874 = arith.constant 0 : i32
    %dma_wait3A_875 = tpu.memref_slice %arg4[%add3A_871, %dma_wait3A_874] : memref<131072x128xf32, #tpu.memory_space<hbm>> -> memref<128x128xf32, #tpu.memory_space<hbm>>
    tpu.wait_dma2 semaphore(%arg22 : memref<!tpu.dma_semaphore, #tpu.memory_space<semaphore_mem>>) src(%arg10 : memref<128x128xf32, #tpu.memory_space<vmem>>) dst(%dma_wait3A_875 : memref<128x128xf32, #tpu.memory_space<hbm>>)
    %dma_start3A_876 = arith.constant 3456 : i32
    %dma_start3A_877 = tpu.memref_slice %arg6[%dma_start3A_876] : memref<4096xi32, #tpu.memory_space<vmem>> -> memref<128xi32, #tpu.memory_space<vmem>>
    %dma_start3A_878 = arith.constant 0 : i32
    %dma_start3A_879 = arith.constant 0 : i32
    %dma_start3A_880 = tpu.memref_slice %arg3[%dma_start3A_878, %dma_start3A_879] : memref<800000x128xf32, #tpu.memory_space<hbm>> -> memref<800000x128xf32, #tpu.memory_space<hbm>>
    tpu.enqueue_indirect_dma source(%dma_start3A_880 : memref<800000x128xf32, #tpu.memory_space<hbm>>) target(%arg10 : memref<128x128xf32, #tpu.memory_space<vmem>>) offsets(%dma_start3A_877 : memref<128xi32, #tpu.memory_space<vmem>>) semaphore(%arg16 : memref<!tpu.dma_semaphore, #tpu.memory_space<semaphore_mem>>)
    %dma_wait3A_881 = arith.constant 3072 : i32
    %dma_wait3A_882 = tpu.memref_slice %arg6[%dma_wait3A_881] : memref<4096xi32, #tpu.memory_space<vmem>> -> memref<128xi32, #tpu.memory_space<vmem>>
    %dma_wait3A_883 = arith.constant 0 : i32
    %dma_wait3A_884 = arith.constant 0 : i32
    %dma_wait3A_885 = tpu.memref_slice %arg3[%dma_wait3A_883, %dma_wait3A_884] : memref<800000x128xf32, #tpu.memory_space<hbm>> -> memref<800000x128xf32, #tpu.memory_space<hbm>>
    tpu.wait_indirect_dma semaphore(%arg13 : memref<!tpu.dma_semaphore, #tpu.memory_space<semaphore_mem>>) src(%dma_wait3A_885 : memref<800000x128xf32, #tpu.memory_space<hbm>>) dst(%arg7 : memref<128x128xf32, #tpu.memory_space<vmem>>)
    %add3A_886 = arith.constant 3072 : i32
    %add3A_887 = arith.addi %mul3A_2, %add3A_886 : i32
    %dma_start3A_888 = arith.constant 0 : i32
    %dma_start3A_889 = tpu.memref_slice %arg4[%add3A_887, %dma_start3A_888] : memref<131072x128xf32, #tpu.memory_space<hbm>> -> memref<128x128xf32, #tpu.memory_space<hbm>>
    %dma_start3A_890 = arith.constant 0 : i32
    %dma_start3A_891 = tpu.memref_slice %arg4[%add3A_887, %dma_start3A_890] : memref<131072x128xf32, #tpu.memory_space<hbm>> -> memref<128x128xf32, #tpu.memory_space<hbm>>
    tpu.enqueue_dma source(%arg7 : memref<128x128xf32, #tpu.memory_space<vmem>>) target(%dma_start3A_891 : memref<128x128xf32, #tpu.memory_space<hbm>>) target_semaphore(%arg19 : memref<!tpu.dma_semaphore, #tpu.memory_space<semaphore_mem>>)
    %add3A_892 = arith.constant 2816 : i32
    %add3A_893 = arith.addi %mul3A_2, %add3A_892 : i32
    %dma_wait3A_894 = arith.constant 0 : i32
    %dma_wait3A_895 = tpu.memref_slice %arg4[%add3A_893, %dma_wait3A_894] : memref<131072x128xf32, #tpu.memory_space<hbm>> -> memref<128x128xf32, #tpu.memory_space<hbm>>
    %dma_wait3A_896 = arith.constant 0 : i32
    %dma_wait3A_897 = tpu.memref_slice %arg4[%add3A_893, %dma_wait3A_896] : memref<131072x128xf32, #tpu.memory_space<hbm>> -> memref<128x128xf32, #tpu.memory_space<hbm>>
    tpu.wait_dma2 semaphore(%arg23 : memref<!tpu.dma_semaphore, #tpu.memory_space<semaphore_mem>>) src(%arg11 : memref<128x128xf32, #tpu.memory_space<vmem>>) dst(%dma_wait3A_897 : memref<128x128xf32, #tpu.memory_space<hbm>>)
    %dma_start3A_898 = arith.constant 3584 : i32
    %dma_start3A_899 = tpu.memref_slice %arg6[%dma_start3A_898] : memref<4096xi32, #tpu.memory_space<vmem>> -> memref<128xi32, #tpu.memory_space<vmem>>
    %dma_start3A_900 = arith.constant 0 : i32
    %dma_start3A_901 = arith.constant 0 : i32
    %dma_start3A_902 = tpu.memref_slice %arg3[%dma_start3A_900, %dma_start3A_901] : memref<800000x128xf32, #tpu.memory_space<hbm>> -> memref<800000x128xf32, #tpu.memory_space<hbm>>
    tpu.enqueue_indirect_dma source(%dma_start3A_902 : memref<800000x128xf32, #tpu.memory_space<hbm>>) target(%arg11 : memref<128x128xf32, #tpu.memory_space<vmem>>) offsets(%dma_start3A_899 : memref<128xi32, #tpu.memory_space<vmem>>) semaphore(%arg17 : memref<!tpu.dma_semaphore, #tpu.memory_space<semaphore_mem>>)
    %dma_wait3A_903 = arith.constant 3200 : i32
    %dma_wait3A_904 = tpu.memref_slice %arg6[%dma_wait3A_903] : memref<4096xi32, #tpu.memory_space<vmem>> -> memref<128xi32, #tpu.memory_space<vmem>>
    %dma_wait3A_905 = arith.constant 0 : i32
    %dma_wait3A_906 = arith.constant 0 : i32
    %dma_wait3A_907 = tpu.memref_slice %arg3[%dma_wait3A_905, %dma_wait3A_906] : memref<800000x128xf32, #tpu.memory_space<hbm>> -> memref<800000x128xf32, #tpu.memory_space<hbm>>
    tpu.wait_indirect_dma semaphore(%arg14 : memref<!tpu.dma_semaphore, #tpu.memory_space<semaphore_mem>>) src(%dma_wait3A_907 : memref<800000x128xf32, #tpu.memory_space<hbm>>) dst(%arg8 : memref<128x128xf32, #tpu.memory_space<vmem>>)
    %add3A_908 = arith.constant 3200 : i32
    %add3A_909 = arith.addi %mul3A_2, %add3A_908 : i32
    %dma_start3A_910 = arith.constant 0 : i32
    %dma_start3A_911 = tpu.memref_slice %arg4[%add3A_909, %dma_start3A_910] : memref<131072x128xf32, #tpu.memory_space<hbm>> -> memref<128x128xf32, #tpu.memory_space<hbm>>
    %dma_start3A_912 = arith.constant 0 : i32
    %dma_start3A_913 = tpu.memref_slice %arg4[%add3A_909, %dma_start3A_912] : memref<131072x128xf32, #tpu.memory_space<hbm>> -> memref<128x128xf32, #tpu.memory_space<hbm>>
    tpu.enqueue_dma source(%arg8 : memref<128x128xf32, #tpu.memory_space<vmem>>) target(%dma_start3A_913 : memref<128x128xf32, #tpu.memory_space<hbm>>) target_semaphore(%arg20 : memref<!tpu.dma_semaphore, #tpu.memory_space<semaphore_mem>>)
    %add3A_914 = arith.constant 2944 : i32
    %add3A_915 = arith.addi %mul3A_2, %add3A_914 : i32
    %dma_wait3A_916 = arith.constant 0 : i32
    %dma_wait3A_917 = tpu.memref_slice %arg4[%add3A_915, %dma_wait3A_916] : memref<131072x128xf32, #tpu.memory_space<hbm>> -> memref<128x128xf32, #tpu.memory_space<hbm>>
    %dma_wait3A_918 = arith.constant 0 : i32
    %dma_wait3A_919 = tpu.memref_slice %arg4[%add3A_915, %dma_wait3A_918] : memref<131072x128xf32, #tpu.memory_space<hbm>> -> memref<128x128xf32, #tpu.memory_space<hbm>>
    tpu.wait_dma2 semaphore(%arg24 : memref<!tpu.dma_semaphore, #tpu.memory_space<semaphore_mem>>) src(%arg12 : memref<128x128xf32, #tpu.memory_space<vmem>>) dst(%dma_wait3A_919 : memref<128x128xf32, #tpu.memory_space<hbm>>)
    %dma_start3A_920 = arith.constant 3712 : i32
    %dma_start3A_921 = tpu.memref_slice %arg6[%dma_start3A_920] : memref<4096xi32, #tpu.memory_space<vmem>> -> memref<128xi32, #tpu.memory_space<vmem>>
    %dma_start3A_922 = arith.constant 0 : i32
    %dma_start3A_923 = arith.constant 0 : i32
    %dma_start3A_924 = tpu.memref_slice %arg3[%dma_start3A_922, %dma_start3A_923] : memref<800000x128xf32, #tpu.memory_space<hbm>> -> memref<800000x128xf32, #tpu.memory_space<hbm>>
    tpu.enqueue_indirect_dma source(%dma_start3A_924 : memref<800000x128xf32, #tpu.memory_space<hbm>>) target(%arg12 : memref<128x128xf32, #tpu.memory_space<vmem>>) offsets(%dma_start3A_921 : memref<128xi32, #tpu.memory_space<vmem>>) semaphore(%arg18 : memref<!tpu.dma_semaphore, #tpu.memory_space<semaphore_mem>>)
    %dma_wait3A_925 = arith.constant 3328 : i32
    %dma_wait3A_926 = tpu.memref_slice %arg6[%dma_wait3A_925] : memref<4096xi32, #tpu.memory_space<vmem>> -> memref<128xi32, #tpu.memory_space<vmem>>
    %dma_wait3A_927 = arith.constant 0 : i32
    %dma_wait3A_928 = arith.constant 0 : i32
    %dma_wait3A_929 = tpu.memref_slice %arg3[%dma_wait3A_927, %dma_wait3A_928] : memref<800000x128xf32, #tpu.memory_space<hbm>> -> memref<800000x128xf32, #tpu.memory_space<hbm>>
    tpu.wait_indirect_dma semaphore(%arg15 : memref<!tpu.dma_semaphore, #tpu.memory_space<semaphore_mem>>) src(%dma_wait3A_929 : memref<800000x128xf32, #tpu.memory_space<hbm>>) dst(%arg9 : memref<128x128xf32, #tpu.memory_space<vmem>>)
    %add3A_930 = arith.constant 3328 : i32
    %add3A_931 = arith.addi %mul3A_2, %add3A_930 : i32
    %dma_start3A_932 = arith.constant 0 : i32
    %dma_start3A_933 = tpu.memref_slice %arg4[%add3A_931, %dma_start3A_932] : memref<131072x128xf32, #tpu.memory_space<hbm>> -> memref<128x128xf32, #tpu.memory_space<hbm>>
    %dma_start3A_934 = arith.constant 0 : i32
    %dma_start3A_935 = tpu.memref_slice %arg4[%add3A_931, %dma_start3A_934] : memref<131072x128xf32, #tpu.memory_space<hbm>> -> memref<128x128xf32, #tpu.memory_space<hbm>>
    tpu.enqueue_dma source(%arg9 : memref<128x128xf32, #tpu.memory_space<vmem>>) target(%dma_start3A_935 : memref<128x128xf32, #tpu.memory_space<hbm>>) target_semaphore(%arg21 : memref<!tpu.dma_semaphore, #tpu.memory_space<semaphore_mem>>)
    %add3A_936 = arith.constant 3072 : i32
    %add3A_937 = arith.addi %mul3A_2, %add3A_936 : i32
    %dma_wait3A_938 = arith.constant 0 : i32
    %dma_wait3A_939 = tpu.memref_slice %arg4[%add3A_937, %dma_wait3A_938] : memref<131072x128xf32, #tpu.memory_space<hbm>> -> memref<128x128xf32, #tpu.memory_space<hbm>>
    %dma_wait3A_940 = arith.constant 0 : i32
    %dma_wait3A_941 = tpu.memref_slice %arg4[%add3A_937, %dma_wait3A_940] : memref<131072x128xf32, #tpu.memory_space<hbm>> -> memref<128x128xf32, #tpu.memory_space<hbm>>
    tpu.wait_dma2 semaphore(%arg19 : memref<!tpu.dma_semaphore, #tpu.memory_space<semaphore_mem>>) src(%arg7 : memref<128x128xf32, #tpu.memory_space<vmem>>) dst(%dma_wait3A_941 : memref<128x128xf32, #tpu.memory_space<hbm>>)
    %dma_start3A_942 = arith.constant 3840 : i32
    %dma_start3A_943 = tpu.memref_slice %arg6[%dma_start3A_942] : memref<4096xi32, #tpu.memory_space<vmem>> -> memref<128xi32, #tpu.memory_space<vmem>>
    %dma_start3A_944 = arith.constant 0 : i32
    %dma_start3A_945 = arith.constant 0 : i32
    %dma_start3A_946 = tpu.memref_slice %arg3[%dma_start3A_944, %dma_start3A_945] : memref<800000x128xf32, #tpu.memory_space<hbm>> -> memref<800000x128xf32, #tpu.memory_space<hbm>>
    tpu.enqueue_indirect_dma source(%dma_start3A_946 : memref<800000x128xf32, #tpu.memory_space<hbm>>) target(%arg7 : memref<128x128xf32, #tpu.memory_space<vmem>>) offsets(%dma_start3A_943 : memref<128xi32, #tpu.memory_space<vmem>>) semaphore(%arg13 : memref<!tpu.dma_semaphore, #tpu.memory_space<semaphore_mem>>)
    %dma_wait3A_947 = arith.constant 3456 : i32
    %dma_wait3A_948 = tpu.memref_slice %arg6[%dma_wait3A_947] : memref<4096xi32, #tpu.memory_space<vmem>> -> memref<128xi32, #tpu.memory_space<vmem>>
    %dma_wait3A_949 = arith.constant 0 : i32
    %dma_wait3A_950 = arith.constant 0 : i32
    %dma_wait3A_951 = tpu.memref_slice %arg3[%dma_wait3A_949, %dma_wait3A_950] : memref<800000x128xf32, #tpu.memory_space<hbm>> -> memref<800000x128xf32, #tpu.memory_space<hbm>>
    tpu.wait_indirect_dma semaphore(%arg16 : memref<!tpu.dma_semaphore, #tpu.memory_space<semaphore_mem>>) src(%dma_wait3A_951 : memref<800000x128xf32, #tpu.memory_space<hbm>>) dst(%arg10 : memref<128x128xf32, #tpu.memory_space<vmem>>)
    %add3A_952 = arith.constant 3456 : i32
    %add3A_953 = arith.addi %mul3A_2, %add3A_952 : i32
    %dma_start3A_954 = arith.constant 0 : i32
    %dma_start3A_955 = tpu.memref_slice %arg4[%add3A_953, %dma_start3A_954] : memref<131072x128xf32, #tpu.memory_space<hbm>> -> memref<128x128xf32, #tpu.memory_space<hbm>>
    %dma_start3A_956 = arith.constant 0 : i32
    %dma_start3A_957 = tpu.memref_slice %arg4[%add3A_953, %dma_start3A_956] : memref<131072x128xf32, #tpu.memory_space<hbm>> -> memref<128x128xf32, #tpu.memory_space<hbm>>
    tpu.enqueue_dma source(%arg10 : memref<128x128xf32, #tpu.memory_space<vmem>>) target(%dma_start3A_957 : memref<128x128xf32, #tpu.memory_space<hbm>>) target_semaphore(%arg22 : memref<!tpu.dma_semaphore, #tpu.memory_space<semaphore_mem>>)
    %add3A_958 = arith.constant 3200 : i32
    %add3A_959 = arith.addi %mul3A_2, %add3A_958 : i32
    %dma_wait3A_960 = arith.constant 0 : i32
    %dma_wait3A_961 = tpu.memref_slice %arg4[%add3A_959, %dma_wait3A_960] : memref<131072x128xf32, #tpu.memory_space<hbm>> -> memref<128x128xf32, #tpu.memory_space<hbm>>
    %dma_wait3A_962 = arith.constant 0 : i32
    %dma_wait3A_963 = tpu.memref_slice %arg4[%add3A_959, %dma_wait3A_962] : memref<131072x128xf32, #tpu.memory_space<hbm>> -> memref<128x128xf32, #tpu.memory_space<hbm>>
    tpu.wait_dma2 semaphore(%arg20 : memref<!tpu.dma_semaphore, #tpu.memory_space<semaphore_mem>>) src(%arg8 : memref<128x128xf32, #tpu.memory_space<vmem>>) dst(%dma_wait3A_963 : memref<128x128xf32, #tpu.memory_space<hbm>>)
    %dma_start3A_964 = arith.constant 3968 : i32
    %dma_start3A_965 = tpu.memref_slice %arg6[%dma_start3A_964] : memref<4096xi32, #tpu.memory_space<vmem>> -> memref<128xi32, #tpu.memory_space<vmem>>
    %dma_start3A_966 = arith.constant 0 : i32
    %dma_start3A_967 = arith.constant 0 : i32
    %dma_start3A_968 = tpu.memref_slice %arg3[%dma_start3A_966, %dma_start3A_967] : memref<800000x128xf32, #tpu.memory_space<hbm>> -> memref<800000x128xf32, #tpu.memory_space<hbm>>
    tpu.enqueue_indirect_dma source(%dma_start3A_968 : memref<800000x128xf32, #tpu.memory_space<hbm>>) target(%arg8 : memref<128x128xf32, #tpu.memory_space<vmem>>) offsets(%dma_start3A_965 : memref<128xi32, #tpu.memory_space<vmem>>) semaphore(%arg14 : memref<!tpu.dma_semaphore, #tpu.memory_space<semaphore_mem>>)
    %dma_wait3A_969 = arith.constant 3584 : i32
    %dma_wait3A_970 = tpu.memref_slice %arg6[%dma_wait3A_969] : memref<4096xi32, #tpu.memory_space<vmem>> -> memref<128xi32, #tpu.memory_space<vmem>>
    %dma_wait3A_971 = arith.constant 0 : i32
    %dma_wait3A_972 = arith.constant 0 : i32
    %dma_wait3A_973 = tpu.memref_slice %arg3[%dma_wait3A_971, %dma_wait3A_972] : memref<800000x128xf32, #tpu.memory_space<hbm>> -> memref<800000x128xf32, #tpu.memory_space<hbm>>
    tpu.wait_indirect_dma semaphore(%arg17 : memref<!tpu.dma_semaphore, #tpu.memory_space<semaphore_mem>>) src(%dma_wait3A_973 : memref<800000x128xf32, #tpu.memory_space<hbm>>) dst(%arg11 : memref<128x128xf32, #tpu.memory_space<vmem>>)
    %add3A_974 = arith.constant 3584 : i32
    %add3A_975 = arith.addi %mul3A_2, %add3A_974 : i32
    %dma_start3A_976 = arith.constant 0 : i32
    %dma_start3A_977 = tpu.memref_slice %arg4[%add3A_975, %dma_start3A_976] : memref<131072x128xf32, #tpu.memory_space<hbm>> -> memref<128x128xf32, #tpu.memory_space<hbm>>
    %dma_start3A_978 = arith.constant 0 : i32
    %dma_start3A_979 = tpu.memref_slice %arg4[%add3A_975, %dma_start3A_978] : memref<131072x128xf32, #tpu.memory_space<hbm>> -> memref<128x128xf32, #tpu.memory_space<hbm>>
    tpu.enqueue_dma source(%arg11 : memref<128x128xf32, #tpu.memory_space<vmem>>) target(%dma_start3A_979 : memref<128x128xf32, #tpu.memory_space<hbm>>) target_semaphore(%arg23 : memref<!tpu.dma_semaphore, #tpu.memory_space<semaphore_mem>>)
    %dma_wait3A_980 = arith.constant 3712 : i32
    %dma_wait3A_981 = tpu.memref_slice %arg6[%dma_wait3A_980] : memref<4096xi32, #tpu.memory_space<vmem>> -> memref<128xi32, #tpu.memory_space<vmem>>
    %dma_wait3A_982 = arith.constant 0 : i32
    %dma_wait3A_983 = arith.constant 0 : i32
    %dma_wait3A_984 = tpu.memref_slice %arg3[%dma_wait3A_982, %dma_wait3A_983] : memref<800000x128xf32, #tpu.memory_space<hbm>> -> memref<800000x128xf32, #tpu.memory_space<hbm>>
    tpu.wait_indirect_dma semaphore(%arg18 : memref<!tpu.dma_semaphore, #tpu.memory_space<semaphore_mem>>) src(%dma_wait3A_984 : memref<800000x128xf32, #tpu.memory_space<hbm>>) dst(%arg12 : memref<128x128xf32, #tpu.memory_space<vmem>>)
    %add3A_985 = arith.constant 3712 : i32
    %add3A_986 = arith.addi %mul3A_2, %add3A_985 : i32
    %dma_start3A_987 = arith.constant 0 : i32
    %dma_start3A_988 = tpu.memref_slice %arg4[%add3A_986, %dma_start3A_987] : memref<131072x128xf32, #tpu.memory_space<hbm>> -> memref<128x128xf32, #tpu.memory_space<hbm>>
    %dma_start3A_989 = arith.constant 0 : i32
    %dma_start3A_990 = tpu.memref_slice %arg4[%add3A_986, %dma_start3A_989] : memref<131072x128xf32, #tpu.memory_space<hbm>> -> memref<128x128xf32, #tpu.memory_space<hbm>>
    tpu.enqueue_dma source(%arg12 : memref<128x128xf32, #tpu.memory_space<vmem>>) target(%dma_start3A_990 : memref<128x128xf32, #tpu.memory_space<hbm>>) target_semaphore(%arg24 : memref<!tpu.dma_semaphore, #tpu.memory_space<semaphore_mem>>)
    %dma_wait3A_991 = arith.constant 3840 : i32
    %dma_wait3A_992 = tpu.memref_slice %arg6[%dma_wait3A_991] : memref<4096xi32, #tpu.memory_space<vmem>> -> memref<128xi32, #tpu.memory_space<vmem>>
    %dma_wait3A_993 = arith.constant 0 : i32
    %dma_wait3A_994 = arith.constant 0 : i32
    %dma_wait3A_995 = tpu.memref_slice %arg3[%dma_wait3A_993, %dma_wait3A_994] : memref<800000x128xf32, #tpu.memory_space<hbm>> -> memref<800000x128xf32, #tpu.memory_space<hbm>>
    tpu.wait_indirect_dma semaphore(%arg13 : memref<!tpu.dma_semaphore, #tpu.memory_space<semaphore_mem>>) src(%dma_wait3A_995 : memref<800000x128xf32, #tpu.memory_space<hbm>>) dst(%arg7 : memref<128x128xf32, #tpu.memory_space<vmem>>)
    %add3A_996 = arith.constant 3840 : i32
    %add3A_997 = arith.addi %mul3A_2, %add3A_996 : i32
    %dma_start3A_998 = arith.constant 0 : i32
    %dma_start3A_999 = tpu.memref_slice %arg4[%add3A_997, %dma_start3A_998] : memref<131072x128xf32, #tpu.memory_space<hbm>> -> memref<128x128xf32, #tpu.memory_space<hbm>>
    %dma_start3A_1000 = arith.constant 0 : i32
    %dma_start3A_1001 = tpu.memref_slice %arg4[%add3A_997, %dma_start3A_1000] : memref<131072x128xf32, #tpu.memory_space<hbm>> -> memref<128x128xf32, #tpu.memory_space<hbm>>
    tpu.enqueue_dma source(%arg7 : memref<128x128xf32, #tpu.memory_space<vmem>>) target(%dma_start3A_1001 : memref<128x128xf32, #tpu.memory_space<hbm>>) target_semaphore(%arg19 : memref<!tpu.dma_semaphore, #tpu.memory_space<semaphore_mem>>)
    %dma_wait3A_1002 = arith.constant 3968 : i32
    %dma_wait3A_1003 = tpu.memref_slice %arg6[%dma_wait3A_1002] : memref<4096xi32, #tpu.memory_space<vmem>> -> memref<128xi32, #tpu.memory_space<vmem>>
    %dma_wait3A_1004 = arith.constant 0 : i32
    %dma_wait3A_1005 = arith.constant 0 : i32
    %dma_wait3A_1006 = tpu.memref_slice %arg3[%dma_wait3A_1004, %dma_wait3A_1005] : memref<800000x128xf32, #tpu.memory_space<hbm>> -> memref<800000x128xf32, #tpu.memory_space<hbm>>
    tpu.wait_indirect_dma semaphore(%arg14 : memref<!tpu.dma_semaphore, #tpu.memory_space<semaphore_mem>>) src(%dma_wait3A_1006 : memref<800000x128xf32, #tpu.memory_space<hbm>>) dst(%arg8 : memref<128x128xf32, #tpu.memory_space<vmem>>)
    %add3A_1007 = arith.constant 3968 : i32
    %add3A_1008 = arith.addi %mul3A_2, %add3A_1007 : i32
    %dma_start3A_1009 = arith.constant 0 : i32
    %dma_start3A_1010 = tpu.memref_slice %arg4[%add3A_1008, %dma_start3A_1009] : memref<131072x128xf32, #tpu.memory_space<hbm>> -> memref<128x128xf32, #tpu.memory_space<hbm>>
    %dma_start3A_1011 = arith.constant 0 : i32
    %dma_start3A_1012 = tpu.memref_slice %arg4[%add3A_1008, %dma_start3A_1011] : memref<131072x128xf32, #tpu.memory_space<hbm>> -> memref<128x128xf32, #tpu.memory_space<hbm>>
    tpu.enqueue_dma source(%arg8 : memref<128x128xf32, #tpu.memory_space<vmem>>) target(%dma_start3A_1012 : memref<128x128xf32, #tpu.memory_space<hbm>>) target_semaphore(%arg20 : memref<!tpu.dma_semaphore, #tpu.memory_space<semaphore_mem>>)
    %add3A_1013 = arith.constant 3328 : i32
    %add3A_1014 = arith.addi %mul3A_2, %add3A_1013 : i32
    %dma_wait3A_1015 = arith.constant 0 : i32
    %dma_wait3A_1016 = tpu.memref_slice %arg4[%add3A_1014, %dma_wait3A_1015] : memref<131072x128xf32, #tpu.memory_space<hbm>> -> memref<128x128xf32, #tpu.memory_space<hbm>>
    %dma_wait3A_1017 = arith.constant 0 : i32
    %dma_wait3A_1018 = tpu.memref_slice %arg4[%add3A_1014, %dma_wait3A_1017] : memref<131072x128xf32, #tpu.memory_space<hbm>> -> memref<128x128xf32, #tpu.memory_space<hbm>>
    tpu.wait_dma2 semaphore(%arg21 : memref<!tpu.dma_semaphore, #tpu.memory_space<semaphore_mem>>) src(%arg9 : memref<128x128xf32, #tpu.memory_space<vmem>>) dst(%dma_wait3A_1018 : memref<128x128xf32, #tpu.memory_space<hbm>>)
    %add3A_1019 = arith.constant 3456 : i32
    %add3A_1020 = arith.addi %mul3A_2, %add3A_1019 : i32
    %dma_wait3A_1021 = arith.constant 0 : i32
    %dma_wait3A_1022 = tpu.memref_slice %arg4[%add3A_1020, %dma_wait3A_1021] : memref<131072x128xf32, #tpu.memory_space<hbm>> -> memref<128x128xf32, #tpu.memory_space<hbm>>
    %dma_wait3A_1023 = arith.constant 0 : i32
    %dma_wait3A_1024 = tpu.memref_slice %arg4[%add3A_1020, %dma_wait3A_1023] : memref<131072x128xf32, #tpu.memory_space<hbm>> -> memref<128x128xf32, #tpu.memory_space<hbm>>
    tpu.wait_dma2 semaphore(%arg22 : memref<!tpu.dma_semaphore, #tpu.memory_space<semaphore_mem>>) src(%arg10 : memref<128x128xf32, #tpu.memory_space<vmem>>) dst(%dma_wait3A_1024 : memref<128x128xf32, #tpu.memory_space<hbm>>)
    %add3A_1025 = arith.constant 3584 : i32
    %add3A_1026 = arith.addi %mul3A_2, %add3A_1025 : i32
    %dma_wait3A_1027 = arith.constant 0 : i32
    %dma_wait3A_1028 = tpu.memref_slice %arg4[%add3A_1026, %dma_wait3A_1027] : memref<131072x128xf32, #tpu.memory_space<hbm>> -> memref<128x128xf32, #tpu.memory_space<hbm>>
    %dma_wait3A_1029 = arith.constant 0 : i32
    %dma_wait3A_1030 = tpu.memref_slice %arg4[%add3A_1026, %dma_wait3A_1029] : memref<131072x128xf32, #tpu.memory_space<hbm>> -> memref<128x128xf32, #tpu.memory_space<hbm>>
    tpu.wait_dma2 semaphore(%arg23 : memref<!tpu.dma_semaphore, #tpu.memory_space<semaphore_mem>>) src(%arg11 : memref<128x128xf32, #tpu.memory_space<vmem>>) dst(%dma_wait3A_1030 : memref<128x128xf32, #tpu.memory_space<hbm>>)
    %add3A_1031 = arith.constant 3712 : i32
    %add3A_1032 = arith.addi %mul3A_2, %add3A_1031 : i32
    %dma_wait3A_1033 = arith.constant 0 : i32
    %dma_wait3A_1034 = tpu.memref_slice %arg4[%add3A_1032, %dma_wait3A_1033] : memref<131072x128xf32, #tpu.memory_space<hbm>> -> memref<128x128xf32, #tpu.memory_space<hbm>>
    %dma_wait3A_1035 = arith.constant 0 : i32
    %dma_wait3A_1036 = tpu.memref_slice %arg4[%add3A_1032, %dma_wait3A_1035] : memref<131072x128xf32, #tpu.memory_space<hbm>> -> memref<128x128xf32, #tpu.memory_space<hbm>>
    tpu.wait_dma2 semaphore(%arg24 : memref<!tpu.dma_semaphore, #tpu.memory_space<semaphore_mem>>) src(%arg12 : memref<128x128xf32, #tpu.memory_space<vmem>>) dst(%dma_wait3A_1036 : memref<128x128xf32, #tpu.memory_space<hbm>>)
    %add3A_1037 = arith.constant 3840 : i32
    %add3A_1038 = arith.addi %mul3A_2, %add3A_1037 : i32
    %dma_wait3A_1039 = arith.constant 0 : i32
    %dma_wait3A_1040 = tpu.memref_slice %arg4[%add3A_1038, %dma_wait3A_1039] : memref<131072x128xf32, #tpu.memory_space<hbm>> -> memref<128x128xf32, #tpu.memory_space<hbm>>
    %dma_wait3A_1041 = arith.constant 0 : i32
    %dma_wait3A_1042 = tpu.memref_slice %arg4[%add3A_1038, %dma_wait3A_1041] : memref<131072x128xf32, #tpu.memory_space<hbm>> -> memref<128x128xf32, #tpu.memory_space<hbm>>
    tpu.wait_dma2 semaphore(%arg19 : memref<!tpu.dma_semaphore, #tpu.memory_space<semaphore_mem>>) src(%arg7 : memref<128x128xf32, #tpu.memory_space<vmem>>) dst(%dma_wait3A_1042 : memref<128x128xf32, #tpu.memory_space<hbm>>)
    %add3A_1043 = arith.constant 3968 : i32
    %add3A_1044 = arith.addi %mul3A_2, %add3A_1043 : i32
    %dma_wait3A_1045 = arith.constant 0 : i32
    %dma_wait3A_1046 = tpu.memref_slice %arg4[%add3A_1044, %dma_wait3A_1045] : memref<131072x128xf32, #tpu.memory_space<hbm>> -> memref<128x128xf32, #tpu.memory_space<hbm>>
    %dma_wait3A_1047 = arith.constant 0 : i32
    %dma_wait3A_1048 = tpu.memref_slice %arg4[%add3A_1044, %dma_wait3A_1047] : memref<131072x128xf32, #tpu.memory_space<hbm>> -> memref<128x128xf32, #tpu.memory_space<hbm>>
    tpu.wait_dma2 semaphore(%arg20 : memref<!tpu.dma_semaphore, #tpu.memory_space<semaphore_mem>>) src(%arg8 : memref<128x128xf32, #tpu.memory_space<vmem>>) dst(%dma_wait3A_1048 : memref<128x128xf32, #tpu.memory_space<hbm>>)
    return
  }
}

</mosaic_0001>

<sc_bundles>
// kernel: kernel.3.cloned.1.call-start
scs
__scs_entry_jumppad:
0x0: {  	(pc) =	sbr.rel $0x88, $3  }
0x1: {  	(tag) =	ssettag $0x0;
	lr =	simm.s32 $0x1  }
0x2: {  	[smem:$0x3F9F] =	sst lr;
	_ =	strace $0xD0000000  }
0x3: {  	_ = 	snop  }
0x4: {  	_ = 	snop  }
0x5: {  	_ = 	snop  }
0x6: {  	_ = 	snop  }
0x7: {  	_ = 	snop  }
__scs_overlays_trampoline_lowered:
0x8: {  	[smem:$0x3FAE] =	sst s0  }
0x9: {  	[smem:$0x3FAF] =	sst s1  }
0xa: {  	[smem:$0x3FB0] =	sst s2  }
0xb: {  	[smem:$0x3FB1] =	sst s3  }
0xc: {  	[smem:$0x3FB2] =	sst s4  }
0xd: {  	[smem:$0x3FB3] =	sst s5  }
0xe: {  	[smem:$0x3FB4] =	sst s6  }
0xf: {  	[smem:$0x3FB5] =	sst s7  }
0x10: {  	[smem:$0x3FB6] =	sst s8  }
0x11: {  	[smem:$0x3FB7] =	sst s9;
	s0 =	simm.s32 @!p0 $0x0  }
0x12: {  	s1 =	sld [smem:$0x3F9D];
	s0 =	simm.s32 @p0 $0x1  }
0x13: {  	[smem:$0x3FB8] =	sst s0;
	s0 =	simm.s32 @!p1 $0x0  }
0x14: {  	s2 =	sld [smem:$0x3F9C];
	s0 =	simm.s32 @p1 $0x1  }
0x15: {  	[smem:$0x3FB9] =	sst s0;
	s0 =	simm.s32 @!p2 $0x0  }
0x16: {  	s3 =	sld [smem:$0x3FDB];
	s0 =	simm.s32 @p2 $0x1  }
0x17: {  	s4 =	simm.s32 $0x1BF5;
	[smem:$0x3FBB] =	sst s0  }
0x18: {  	s0 =	sld [smem:$0x3F9E];
	_ =	swait.ge [sflag:s4], $0x0  }
0x19: {  	s7 =	sld [smem:$0x3F9F]  }
0x1a: {  	s8 =	sadd.s32 $0xFFFFE003, lr  }
0x1b: {  	s9 =	sadd.s32 $0xFFFFFEF7, lr;
	s5 =	simm.s32 $0xFFFFFFFF;
	p2 =	slt.u32 s8, $0xFFFFF086  }
0x1c: {  	p1 =	slt.u32 s9, $0xF7A;
	s5 =	simm.s32 @!p2 $0x0  }
0x1d: {  	s5 =	simm.s32 @p1 $0x1;
	p0 =	seq.s32 s7, s2  }
0x1e: {  	s7 =	smul.u32 @!p0 $0xF7A, s2;
	p2 =	seq.s32 @!p0 s5, $0x0  }
0x1f: {  	s9 =	smul.u32 $0xF7A, s1;
	s8 =	simm.s32 @!p0 $0x1BF5;
	p2 =	por !p2, p0  }
0x20: {  	[sflag:s8] =	ssyncset.s32 @!p0 $0xFFFFF086;
	s6 =	sadd.s32 @!p0 s3, s7;
	s7 =	simm.s32 @!p0 $0x108  }
0x21: {  	s3 =	sadd.s32 s3, s9;
	s6 =	sadd.s32 @!p0 $0x88, s6;
	s7 =	simm.s32 @p2 $0x1082  }
0x22: {  	[simem:s7], [sflag:s8] =	dma.local @!p0 [hbm:s6], $0xF7A  }
0x23: {  	s9 =	sor.u32 $0xD0000000, s2;
	s6 =	simm.s32 $0x108;
	_ =	swait.ge @!p0 [sflag:s8], $0x0  }
0x24: {  	s3 =	sadd.s32 $0x88, s3;
	s6 =	simm.s32 @!p1 $0x1082;
	[sflag:s4] =	ssyncset.s32 $0xFFFFF086  }
0x25: {  	[simem:s6], [sflag:s4] =	dma.local [hbm:s3], $0xF7A  }
0x26: {  	[smem:$0x3F9F] =	sst s1;
	(tag) =	ssettag s2;
	_ =	strace s9  }
0x27: {  	s1 =	sld [smem:$0x3FAF]  }
0x28: {  	s2 =	sld [smem:$0x3FB0]  }
0x29: {  	s4 =	sld [smem:$0x3FB2]  }
0x2a: {  	p0 =	seq.s32 s5, $0x0;
	s5 =	sld [smem:$0x3FB3]  }
0x2b: {  	s6 =	sld [smem:$0x3FB4]  }
0x2c: {  	s7 =	sld [smem:$0x3FB5]  }
0x2d: {  	s3 =	simm.s32 $0x108;
	s8 =	sld [smem:$0x3FB6]  }
0x2e: {  	s3 =	simm.s32 @!p0 $0x1082;
	s9 =	sld [smem:$0x3FB7]  }
0x2f: {  	lr =	sadd.s32 s0, s3;
	s0 =	sld [smem:$0x3FAE]  }
0x30: {  	s3 =	sld [smem:$0x3FB1]  }
0x31: {  	[smem:$0x3FBA] =	sst s10  }
0x32: {  	s10 =	sld [smem:$0x3FB8];
	_ =	sdelay $0x3  }
0x33: {  	p0 =	seq.s32 s10, $0x1;
	s10 =	sld [smem:$0x3FBA];
	_ =	sdelay $0x3  }
0x34: {  	[smem:$0x3FBA] =	sst s10  }
0x35: {  	s10 =	sld [smem:$0x3FB9];
	_ =	sdelay $0x3  }
0x36: {  	p1 =	seq.s32 s10, $0x1;
	s10 =	sld [smem:$0x3FBA];
	_ =	sdelay $0x3  }
0x37: {  	[smem:$0x3FBA] =	sst s10  }
0x38: {  	s10 =	sld [smem:$0x3FBB]  }
0x39: {  	_ = 	snop;
	(pc) =	sbr.ind lr, $3  }
0x3a: {  	_ = 	snop  }
0x3b: {  	_ = 	snop  }
0x3c: {  	p2 =	seq.s32 s10, $0x1;
	s10 =	sld [smem:$0x3FBA]  }
0x3d: {  	_ =	shalt  }
0x3e: {  	_ =	shalt  }
0x3f: {  	_ =	shalt  }
0x40: {  	_ =	shalt  }
0x41: {  	_ =	shalt  }
0x42: {  	_ =	shalt  }
0x43: {  	_ =	shalt  }
0x44: {  	_ =	shalt  }
0x45: {  	_ =	shalt  }
0x46: {  	_ =	shalt  }
0x47: {  	_ =	shalt  }
0x48: {  	_ =	shalt  }
0x49: {  	_ =	shalt  }
0x4a: {  	_ =	shalt  }
0x4b: {  	_ =	shalt  }
0x4c: {  	_ =	shalt  }
0x4d: {  	_ =	shalt  }
0x4e: {  	_ =	shalt  }
0x4f: {  	_ =	shalt  }
0x50: {  	_ =	shalt  }
0x51: {  	_ =	shalt  }
0x52: {  	_ =	shalt  }
0x53: {  	_ =	shalt  }
0x54: {  	_ =	shalt  }
0x55: {  	_ =	shalt  }
0x56: {  	_ =	shalt  }
0x57: {  	_ =	shalt  }
0x58: {  	_ =	shalt  }
0x59: {  	_ =	shalt  }
0x5a: {  	_ =	shalt  }
0x5b: {  	_ =	shalt  }
0x5c: {  	_ =	shalt  }
0x5d: {  	_ =	shalt  }
0x5e: {  	_ =	shalt  }
0x5f: {  	_ =	shalt  }
0x60: {  	_ =	shalt  }
0x61: {  	_ =	shalt  }
0x62: {  	_ =	shalt  }
0x63: {  	_ =	shalt  }
0x64: {  	_ =	shalt  }
0x65: {  	_ =	shalt  }
0x66: {  	_ =	shalt  }
0x67: {  	_ =	shalt  }
0x68: {  	_ =	shalt  }
0x69: {  	_ =	shalt  }
0x6a: {  	_ =	shalt  }
0x6b: {  	_ =	shalt  }
0x6c: {  	_ =	shalt  }
0x6d: {  	_ =	shalt  }
0x6e: {  	_ =	shalt  }
0x6f: {  	_ =	shalt  }
0x70: {  	_ =	shalt  }
0x71: {  	_ =	shalt  }
0x72: {  	_ =	shalt  }
0x73: {  	_ =	shalt  }
0x74: {  	_ =	shalt  }
0x75: {  	_ =	shalt  }
0x76: {  	_ =	shalt  }
0x77: {  	_ =	shalt  }
0x78: {  	_ =	shalt  }
0x79: {  	_ =	shalt  }
0x7a: {  	_ =	shalt  }
0x7b: {  	_ =	shalt  }
0x7c: {  	_ =	shalt  }
0x7d: {  	_ =	shalt  }
0x7e: {  	_ =	shalt  }
0x7f: {  	_ =	shalt  }
0x80: {  	_ =	shalt  }
0x81: {  	_ =	shalt  }
0x82: {  	_ =	shalt  }
0x83: {  	_ =	shalt  }
0x84: {  	_ =	shalt  }
0x85: {  	_ =	shalt  }
0x86: {  	_ =	shalt  }
0x87: {  	_ =	shalt  }
.Lfunc_end0:
.L_simem_size_0:
called_computation_lowered:
.L_overlay_start_0:
0x88: {  	s2 =	sld [smem:$0x3FD9]  }
0x89: {  	s3 =	sld [smem:$0x3FFE];
	_ =	sdelay $0x1  }
0x8a: {  	s1 =	srdreg.scid  }
0x8b: {  	s0 =	sand.u32 $0x1, s1  }
0x8c: {  	s17 =	sshll.u32 s0, $0xA;
	s2 =	sadd.s32 s3, s2  }
0x8d: {  	s2 =	sadd.s32 s2, s17  }
0x8e: {  	[smem:$0x3FC6] =	sst s2  }
0x8f: {  	_ = 	snop  }
0x90: {  	s2 =	sld [smem:$0x3FC8]  }
0x91: {  	s18 =	sld [smem:$0x3FD0];
	(tm) =	ssettm $0x1  }
0x92: {  	s4 =	sld [smem:$0x3FFB];
	_ =	sdelay $0x3  }
0x93: {  	_ =	strace s4  }
0x94: {  	s4 =	sld [smem:$0x3FFC];
	_ =	sdelay $0x3  }
0x95: {  	_ =	strace s4  }
0x96: {  	s4 =	sld [smem:$0x3FFD];
	_ =	sdelay $0x3  }
0x97: {  	_ =	strace s4  }
0x98: {  	_ =	strace $0x8FFFFFFF  }
0x99: {  	s19 =	sld [smem:$0x3FDB];
	_ =	sdelay $0x1  }
0x9a: {  	s5 =	simm.s32 $_scs_section_size  }
0x9b: {  	s6 =	simm.s32 $_size__tile_overlayer_lowered;
	s7 =	simm.s32 $_tile_overlayer_lowered  }
0x9c: {  	s22 =	simm.s32 $0x1BFF;
	s21 =	sshll.u32 s7, $0x1;
	s4 =	sadd.s32 s5, s19  }
0x9d: {  	s8 =	simm.s32 $0x0;
	s20 =	sshll.u32 s6, $0x1;
	s6 =	sadd.s32 s21, s4  }
0x9e: {  	[timem:s8], [sflag:s22] =	dma.local [hbm:s6], s20  }
0x9f: {  	_ =	swait.ge [sflag:s22], s20  }
0xa0: {  	s5 =	ssub.s32 $0x0, s20;
	[sflag:s22] =	ssyncset.done $0x0  }
0xa1: {  	[sflag:s22] =	ssyncadd.s32 s5;
	_ =	sdelay $0x1  }
0xa2: {  	s23 =	simm.s32 $0x1B8B  }
0xa3: {  	_ =	swait.ge [sflag:s23], $0x1  }
0xa4: {  	[sflag:s23] =	ssyncset.done $0x0  }
0xa5: {  	s25 =	simm.s32 $0x1B8E;
	s24 =	sld [smem:$0x3FFE];
	[sflag:s23] =	ssyncadd.s32 $0xFFFFFFFF  }
0xa6: {  	s26 =	simm.s32 $execute0_lowered;
	[smem:$0x3FD2] =	sst s25  }
0xa7: {  	s6 =	sshll.u32 s26, $0x1;
	_ =	strace $0x80000046;
	[dreg:$0x1] =	wrdreg $0xFFFFFFFF  }
0xa8: {  	s28 =	simm.s32 $_size_execute0_lowered;
	s4 =	sadd.s32 s4, s6;
	[dreg:$0x0] =	wrdreg $0x0  }
0xa9: {  	s6 =	sshll.u32 s28, $0x1;
	[dreg:$0x2] =	wrdreg s4  }
0xaa: {  	[dreg:$0x3] =	wrdreg s6  }
0xab: {  	[dreg:$0x4] =	wrdreg $0xC0  }
0xac: {  	_ =	task [dreg:s8], $0x5FFFF  }
0xad: {  	[dreg:$0x1] =	wrdreg $0xFFFFFFFF  }
0xae: {  	[dreg:$0x0] =	wrdreg $0x60  }
0xaf: {  	[dreg:$0x2] =	wrdreg s24  }
0xb0: {  	[dreg:$0x3] =	wrdreg s2  }
0xb1: {  	[dreg:$0x4] =	wrdreg s18  }
0xb2: {  	[dreg:$0x5] =	wrdreg $0x9  }
0xb3: {  	_ =	task.clear_ibuf [dreg:s8], $0x6FFFF;
	_ =	strace $0x90000046  }
0xb4: {  	s29 =	simm.s32 $0x9;
	_ =	strace $0x80000048  }
0xb5: {  	_ =	swait.ge [sflag:s29], $0x1  }
0xb6: {  	[sflag:s29] =	ssyncadd.s32 $0xFFFFFFFF  }
0xb7: {  	_ =	strace $0x90000048  }
0xb8: {  	_ =	sfence  }
0xb9: {  	s30 =	sld [smem:$0x0];
	_ =	sdelay $0x2  }
0xba: {  	s31 =	sshll.u32 s1, $0xD;
	s1 =	sshrl.u32 s1, $0x2  }
0xbb: {  	s3 =	sand.u32 $0x4000, s31;
	s1 =	sadd.s32 s1, s30  }
0xbc: {  	s0 =	sor.u32 s3, s0;
	s1 =	sshll.u32 s1, $0x11  }
0xbd: {  	s0 =	sor.u32 s1, s0  }
0xbe: {  	s0 =	sadd.s32 $0x8F2B, s0  }
0xbf: {  	[sflag:s0] =	ssyncadd.remote.s32 $0x1  }
0xc0: {  	_ =	sfence.sel $0xFFFF  }
0xc1: {  	[dreg:$0x0] =	wrdreg $0xFFFFFFFF;
	(pc) =	sbr.abs _section_cstart, $3  }
0xc2: {  	[dreg:$0x1] =	wrdreg $0xFFFFFFFF  }
0xc3: {  	_ =	task.clear_ibuf [dreg:s8], $0x2FFFF;
	_ =	strace $0x9FFFFFFF  }
0xc4: {  	(tm) =	ssettm $0x7FFFFFFF  }
0xc5: {  	_ =	shalt  }
tec
execute0_lowered:
.L_overlay_start_1:
0x0: {  	(tag) =	ssettag $0x1  }
0x1: {  	v0 =	vimm.s32 $0x43424140;
	v1 =	vimm.s32 $0x47464544;
	v2 =	vimm.s32 $0x76543210  }
0x2: {  	vm0 =	vcmask $0x1F10;
	v3 =	vimm.s32 $0xFEDCBA98;
	v4 =	vimm.s32 $0x4F4E4D4C  }
0x3: {  	v5 =	vimm.s32 $0x53525150;
	v6 =	vimm.s32 $0x57565554;
	v7 =	vimm.s32 $0x5F5E5D5C  }
0x4: {  	v8 =	vimm.s32 $0x1B1A1918;
	v9 =	vimm.s32 $0x1F1E1D1C;
	v10 =	vimm.s32 $0x2B2A2928  }
0x5: {  	v11 =	vimm.s32 $0x2F2E2D2C;
	v12 =	vimm.s32 $0x3F3E3D3C;
	v13 =	vimm.s32 $0xC7C6C5C4  }
0x6: {  	v14 =	vimm.s32 $0x83828180;
	v15 =	vimm.s32 $0x87868584;
	v16 =	vimm.s32 $0x97969594  }
0x7: {  	v17 =	vimm.s32 $0xB3B2B1B0;
	v18 =	vimm.s32 $0xB7B6B5B4;
	vm14 =	vcmask $0x300  }
0x8: {  	vm13 =	vcmask $0x704;
	vm12 =	vcmask $0xB08;
	vm11 =	vcmask $0xF0C  }
0x9: {  	vm10 =	vcmask $0x1310;
	vm9 =	vcmask $0x1714;
	vm8 =	vcmask $0x1B18  }
0xa: {  	vm7 =	vcmask $0x1F1C;
	vm6 =	vcmask $0x2320;
	v19 =	vimm.s32 $0xBFBEBDBC  }
0xb: {  	vm5 =	vcmask $0x2724;
	vm4 =	vcmask $0x2B28;
	vm3 =	vcmask $0x2F2C  }
0xc: {  	vm2 =	vcmask $0x3330;
	vm1 =	vcmask $0x3734;
	vm15 =	vcmask $0x3B38  }
0xd: {  	v20 =	vimm.s32 $0x167;
	v21 =	vimm.s32 $0x16F;
	v22 =	vimm.s32 $0x177  }
0xe: {  	v23 =	vimm.s32 $0x17F;
	v24 =	vimm.s32 $0x1C7;
	v25 =	vimm.s32 $0x1CF  }
0xf: {  	v26 =	vimm.s32 $0x1D7;
	v27 =	vimm.s32 $0x1DF;
	v28 =	vimm.s32 $0x1E7  }
0x10: {  	v29 =	vimm.s32 $0x1EF;
	v30 =	vimm.s32 $0x1F7;
	v31 =	vimm.s32 $0x1FF  }
0x11: {  	v0 =	vunpack.c.0.s8.s32 v0;
	v1 =	vunpack.c.0.s8.s32 v1;
	v2 =	vunpack.c.l.s4.s8 v2  }
0x12: {  	v3 =	vunpack.c.l.s4.s8 v3;
	v4 =	vunpack.c.0.s8.s32 v4;
	v5 =	vunpack.c.0.s8.s32 v5  }
0x13: {  	v6 =	vunpack.c.0.s8.s32 v6;
	v7 =	vunpack.c.0.s8.s32 v7;
	v10 =	vunpack.c.0.s8.s32 v10  }
0x14: {  	v11 =	vunpack.c.0.s8.s32 v11;
	v13 =	vunpack.c.0.s8.s32 v13;
	v14 =	vunpack.c.0.s8.s32 v14  }
0x15: {  	v15 =	vunpack.c.0.s8.s32 v15;
	v12 =	vunpack.c.0.s8.s32 v12;
	v16 =	vunpack.c.0.s8.s32 v16  }
0x16: {  	v19 =	vunpack.c.0.s8.s32 v19;
	v20 =	vsel vm14, $0x120, v20;
	v21 =	vsel vm14, $0x128, v21  }
0x17: {  	v22 =	vsel vm14, $0x130, v22;
	v23 =	vsel vm14, $0x138, v23;
	v24 =	vsel vm14, $0x180, v24  }
0x18: {  	v25 =	vsel vm14, $0x188, v25;
	v26 =	vsel vm14, $0x190, v26;
	v27 =	vsel vm14, $0x198, v27  }
0x19: {  	v28 =	vsel vm14, $0x1A0, v28;
	v29 =	vsel vm14, $0x1A8, v29;
	v30 =	vsel vm14, $0x1B0, v30  }
0x1a: {  	v31 =	vsel vm14, $0x1B8, v31;
	v20 =	vsel vm13, $0x121, v20;
	v21 =	vsel vm13, $0x129, v21  }
0x1b: {  	v22 =	vsel vm13, $0x131, v22;
	v23 =	vsel vm13, $0x139, v23;
	v24 =	vsel vm13, $0x181, v24  }
0x1c: {  	v25 =	vsel vm13, $0x189, v25;
	v26 =	vsel vm13, $0x191, v26;
	v27 =	vsel vm13, $0x199, v27  }
0x1d: {  	v28 =	vsel vm13, $0x1A1, v28;
	v29 =	vsel vm13, $0x1A9, v29;
	v30 =	vsel vm13, $0x1B1, v30  }
0x1e: {  	v31 =	vsel vm13, $0x1B9, v31;
	v0 =	vsel vm0, v1, v0;
	v1 =	vunpack.c.0.s8.s32 v2  }
0x1f: {  	v2 =	vimm.s32 $0x4B4A4948;
	v3 =	vunpack.c.0.s8.s32 v3;
	v20 =	vsel vm12, $0x122, v20  }
0x20: {  	v21 =	vsel vm12, $0x12A, v21;
	v22 =	vsel vm12, $0x132, v22;
	v23 =	vsel vm12, $0x13A, v23  }
0x21: {  	v24 =	vsel vm12, $0x182, v24;
	v25 =	vsel vm12, $0x18A, v25;
	v26 =	vsel vm12, $0x192, v26  }
0x22: {  	v27 =	vsel vm12, $0x19A, v27;
	v28 =	vsel vm12, $0x1A2, v28;
	v29 =	vsel vm12, $0x1AA, v29  }
0x23: {  	v30 =	vsel vm12, $0x1B2, v30;
	v31 =	vsel vm12, $0x1BA, v31;
	v2 =	vunpack.c.0.s8.s32 v2  }
0x24: {  	v20 =	vsel vm11, $0x123, v20;
	v21 =	vsel vm11, $0x12B, v21;
	v22 =	vsel vm11, $0x133, v22  }
0x25: {  	v23 =	vsel vm11, $0x13B, v23;
	v24 =	vsel vm11, $0x183, v24;
	v25 =	vsel vm11, $0x18B, v25  }
0x26: {  	v26 =	vsel vm11, $0x193, v26;
	v27 =	vsel vm11, $0x19B, v27;
	v28 =	vsel vm11, $0x1A3, v28  }
0x27: {  	v29 =	vsel vm11, $0x1AB, v29;
	v30 =	vsel vm11, $0x1B3, v30;
	v31 =	vsel vm11, $0x1BB, v31  }
0x28: {  	v0 =	vcombine.low v1, v0;
	v20 =	vsel vm10, $0x124, v20;
	v21 =	vsel vm10, $0x12C, v21  }
0x29: {  	v22 =	vsel vm10, $0x134, v22;
	v23 =	vsel vm10, $0x13C, v23;
	v24 =	vsel vm10, $0x184, v24  }
0x2a: {  	v25 =	vsel vm10, $0x18C, v25;
	v26 =	vsel vm10, $0x194, v26;
	v27 =	vsel vm10, $0x19C, v27  }
0x2b: {  	v28 =	vsel vm10, $0x1A4, v28;
	v29 =	vsel vm10, $0x1AC, v29;
	v30 =	vsel vm10, $0x1B4, v30  }
0x2c: {  	v31 =	vsel vm10, $0x1BC, v31;
	v1 =	vsel vm0, v4, v2;
	v2 =	vand.u32 $0xF, v3  }
0x2d: {  	v3 =	vsel vm0, v6, v5;
	v4 =	vimm.s32 $0x13121110;
	v5 =	vimm.s32 $0x17161514  }
0x2e: {  	v6 =	vimm.s32 $0x5B5A5958;
	v20 =	vsel vm9, $0x125, v20;
	v21 =	vsel vm9, $0x12D, v21  }
0x2f: {  	v22 =	vsel vm9, $0x135, v22;
	v23 =	vsel vm9, $0x13D, v23;
	v24 =	vsel vm9, $0x185, v24  }
0x30: {  	v25 =	vsel vm9, $0x18D, v25;
	v26 =	vsel vm9, $0x195, v26;
	v27 =	vsel vm9, $0x19D, v27  }
0x31: {  	v28 =	vsel vm9, $0x1A5, v28;
	v29 =	vsel vm9, $0x1AD, v29;
	v30 =	vsel vm9, $0x1B5, v30  }
0x32: {  	v31 =	vsel vm9, $0x1BD, v31;
	v4 =	vunpack.c.0.s8.s32 v4;
	v5 =	vunpack.c.0.s8.s32 v5  }
0x33: {  	v6 =	vunpack.c.0.s8.s32 v6;
	v1 =	vcombine.low v2, v1;
	v20 =	vsel vm8, $0x126, v20  }
0x34: {  	v21 =	vsel vm8, $0x12E, v21;
	v22 =	vsel vm8, $0x136, v22;
	v23 =	vsel vm8, $0x13E, v23  }
0x35: {  	v24 =	vsel vm8, $0x186, v24;
	v25 =	vsel vm8, $0x18E, v25;
	v26 =	vsel vm8, $0x196, v26  }
0x36: {  	v27 =	vsel vm8, $0x19E, v27;
	v28 =	vsel vm8, $0x1A6, v28;
	v29 =	vsel vm8, $0x1AE, v29  }
0x37: {  	v30 =	vsel vm8, $0x1B6, v30;
	v31 =	vsel vm8, $0x1BE, v31;
	v20 =	vsel vm7, $0x127, v20  }
0x38: {  	v21 =	vsel vm7, $0x12F, v21;
	v22 =	vsel vm7, $0x137, v22;
	v23 =	vsel vm7, $0x13F, v23  }
0x39: {  	v24 =	vsel vm7, $0x187, v24;
	v25 =	vsel vm7, $0x18F, v25;
	v26 =	vsel vm7, $0x197, v26  }
0x3a: {  	v27 =	vsel vm7, $0x19F, v27;
	v28 =	vsel vm7, $0x1A7, v28;
	v29 =	vsel vm7, $0x1AF, v29  }
0x3b: {  	v30 =	vsel vm7, $0x1B7, v30;
	v31 =	vsel vm7, $0x1BF, v31;
	v4 =	vsel vm0, v5, v4  }
0x3c: {  	v5 =	vunpack.c.0.s8.s32 v8;
	v8 =	vunpack.c.0.s8.s32 v9;
	v9 =	vimm.s32 $0x6F6E6D6C  }
0x3d: {  	v20 =	vsel vm6, $0x160, v20;
	v21 =	vsel vm6, $0x168, v21;
	v22 =	vsel vm6, $0x170, v22  }
0x3e: {  	v23 =	vsel vm6, $0x178, v23;
	v24 =	vsel vm6, $0x1C0, v24;
	v25 =	vsel vm6, $0x1C8, v25  }
0x3f: {  	v26 =	vsel vm6, $0x1D0, v26;
	v27 =	vsel vm6, $0x1D8, v27;
	v28 =	vsel vm6, $0x1E0, v28  }
0x40: {  	v29 =	vsel vm6, $0x1E8, v29;
	v30 =	vsel vm6, $0x1F0, v30;
	v31 =	vsel vm6, $0x1F8, v31  }
0x41: {  	v2 =	vcombine.low v4, v3;
	v3 =	vsel vm0, v7, v6;
	v6 =	vimm.s32 $0x67666564  }
0x42: {  	v7 =	vimm.s32 $0x27262524;
	v9 =	vunpack.c.0.s8.s32 v9;
	v20 =	vsel vm5, $0x161, v20  }
0x43: {  	v21 =	vsel vm5, $0x169, v21;
	v22 =	vsel vm5, $0x171, v22;
	v23 =	vsel vm5, $0x179, v23  }
0x44: {  	v24 =	vsel vm5, $0x1C1, v24;
	v25 =	vsel vm5, $0x1C9, v25;
	v26 =	vsel vm5, $0x1D1, v26  }
0x45: {  	v27 =	vsel vm5, $0x1D9, v27;
	v28 =	vsel vm5, $0x1E1, v28;
	v29 =	vsel vm5, $0x1E9, v29  }
0x46: {  	v30 =	vsel vm5, $0x1F1, v30;
	v31 =	vsel vm5, $0x1F9, v31;
	v4 =	vsel vm0, v8, v5  }
0x47: {  	v5 =	vimm.s32 $0x63626160;
	v8 =	vimm.s32 $0x6B6A6968;
	v7 =	vunpack.c.0.s8.s32 v7  }
0x48: {  	v20 =	vsel vm4, $0x162, v20;
	v21 =	vsel vm4, $0x16A, v21;
	v22 =	vsel vm4, $0x172, v22  }
0x49: {  	v23 =	vsel vm4, $0x17A, v23;
	v24 =	vsel vm4, $0x1C2, v24;
	v25 =	vsel vm4, $0x1CA, v25  }
0x4a: {  	v26 =	vsel vm4, $0x1D2, v26;
	v27 =	vsel vm4, $0x1DA, v27;
	v28 =	vsel vm4, $0x1E2, v28  }
0x4b: {  	v29 =	vsel vm4, $0x1EA, v29;
	v30 =	vsel vm4, $0x1F2, v30;
	v31 =	vsel vm4, $0x1FA, v31  }
0x4c: {  	v3 =	vcombine.low v4, v3;
	v4 =	vunpack.c.0.s8.s32 v5;
	v5 =	vunpack.c.0.s8.s32 v6  }
0x4d: {  	v6 =	vimm.s32 $0x23222120;
	v8 =	vunpack.c.0.s8.s32 v8;
	v20 =	vsel vm3, $0x163, v20  }
0x4e: {  	v21 =	vsel vm3, $0x16B, v21;
	v22 =	vsel vm3, $0x173, v22;
	v23 =	vsel vm3, $0x17B, v23  }
0x4f: {  	v24 =	vsel vm3, $0x1C3, v24;
	v25 =	vsel vm3, $0x1CB, v25;
	v26 =	vsel vm3, $0x1D3, v26  }
0x50: {  	v27 =	vsel vm3, $0x1DB, v27;
	v28 =	vsel vm3, $0x1E3, v28;
	v29 =	vsel vm3, $0x1EB, v29  }
0x51: {  	v30 =	vsel vm3, $0x1F3, v30;
	v31 =	vsel vm3, $0x1FB, v31;
	v6 =	vunpack.c.0.s8.s32 v6  }
0x52: {  	v20 =	vsel vm2, $0x164, v20;
	v21 =	vsel vm2, $0x16C, v21;
	v22 =	vsel vm2, $0x174, v22  }
0x53: {  	v23 =	vsel vm2, $0x17C, v23;
	v24 =	vsel vm2, $0x1C4, v24;
	v25 =	vsel vm2, $0x1CC, v25  }
0x54: {  	v26 =	vsel vm2, $0x1D4, v26;
	v27 =	vsel vm2, $0x1DC, v27;
	v28 =	vsel vm2, $0x1E4, v28  }
0x55: {  	v29 =	vsel vm2, $0x1EC, v29;
	v30 =	vsel vm2, $0x1F4, v30;
	v31 =	vsel vm2, $0x1FC, v31  }
0x56: {  	v4 =	vsel vm0, v5, v4;
	v20 =	vsel vm1, $0x165, v20;
	v21 =	vsel vm1, $0x16D, v21  }
0x57: {  	v22 =	vsel vm1, $0x175, v22;
	v5 =	vsel vm0, v7, v6;
	v6 =	vimm.s32 $0x73727170  }
0x58: {  	v7 =	vsel vm0, v9, v8;
	v8 =	vsel vm0, v11, v10;
	v9 =	vimm.s32 $0x77767574  }
0x59: {  	v10 =	vimm.s32 $0x33323130;
	v11 =	vimm.s32 $0x37363534;
	v6 =	vunpack.c.0.s8.s32 v6  }
0x5a: {  	v9 =	vunpack.c.0.s8.s32 v9;
	v10 =	vunpack.c.0.s8.s32 v10;
	v11 =	vunpack.c.0.s8.s32 v11  }
0x5b: {  	v4 =	vcombine.low v5, v4;
	v5 =	vcombine.low v8, v7;
	v8 =	vimm.s32 $0x7B7A7978  }
0x5c: {  	v23 =	vsel vm1, $0x17D, v23;
	v8 =	vunpack.c.0.s8.s32 v8;
	v6 =	vsel vm0, v9, v6  }
0x5d: {  	v7 =	vsel vm0, v11, v10;
	v9 =	vimm.s32 $0x7F7E7D7C;
	v10 =	vimm.s32 $0xC3C2C1C0  }
0x5e: {  	v11 =	vimm.s32 $0x3B3A3938;
	v10 =	vunpack.c.0.s8.s32 v10;
	v9 =	vunpack.c.0.s8.s32 v9  }
0x5f: {  	v24 =	vsel vm1, $0x1C5, v24;
	v11 =	vunpack.c.0.s8.s32 v11;
	v6 =	vcombine.low v7, v6  }
0x60: {  	v7 =	vsel vm0, v13, v10;
	v10 =	vsel vm0, v15, v14;
	v8 =	vsel vm0, v9, v8  }
0x61: {  	v9 =	vsel vm0, v12, v11;
	v11 =	vimm.s32 $0xCFCECDCC;
	v12 =	vimm.s32 $0x8F8E8D8C  }
0x62: {  	v13 =	vimm.s32 $0xD3D2D1D0;
	v14 =	vimm.s32 $0xD7D6D5D4;
	v10 =	vcombine.low v10, v7  }
0x63: {  	v15 =	vimm.s32 $0x93929190;
	v7 =	vcombine.low v9, v8;
	v9 =	vimm.s32 $0xCBCAC9C8  }
0x64: {  	v8 =	vand.u32 $0xFF, v10;
	v10 =	vunpack.c.0.s8.s32 v11;
	v11 =	vimm.s32 $0x8B8A8988  }
0x65: {  	v12 =	vunpack.c.0.s8.s32 v12;
	v9 =	vunpack.c.0.s8.s32 v9;
	v11 =	vunpack.c.0.s8.s32 v11  }
0x66: {  	v13 =	vunpack.c.0.s8.s32 v13;
	v14 =	vunpack.c.0.s8.s32 v14;
	v15 =	vunpack.c.0.s8.s32 v15  }
0x67: {  	v9 =	vsel vm0, v10, v9;
	v10 =	vsel vm0, v12, v11;
	v11 =	vimm.s32 $0xDBDAD9D8  }
0x68: {  	v12 =	vsel vm0, v14, v13;
	v13 =	vsel vm0, v16, v15;
	v14 =	vimm.s32 $0xDFDEDDDC  }
0x69: {  	v15 =	vimm.s32 $0x9B9A9998;
	v16 =	vimm.s32 $0x9F9E9D9C;
	v11 =	vunpack.c.0.s8.s32 v11  }
0x6a: {  	v14 =	vunpack.c.0.s8.s32 v14;
	v15 =	vunpack.c.0.s8.s32 v15;
	v16 =	vunpack.c.0.s8.s32 v16  }
0x6b: {  	v9 =	vcombine.low v10, v9;
	v10 =	vcombine.low v13, v12;
	v12 =	vimm.s32 $0xE3E2E1E0  }
0x6c: {  	v25 =	vsel vm1, $0x1CD, v25;
	v26 =	vsel vm1, $0x1D5, v26;
	v12 =	vunpack.c.0.s8.s32 v12  }
0x6d: {  	s1 =	rddreg [dreg:$0x0];
	v11 =	vsel vm0, v14, v11;
	v13 =	vsel vm0, v16, v15;
	v14 =	vimm.s32 $0xE7E6E5E4  }
0x6e: {  	s0 =	rddreg [dreg:$0x1];
	s4 =	srdreg.scid;
	v15 =	vimm.s32 $0xA3A2A1A0;
	v16 =	vimm.s32 $0xA7A6A5A4;
	v14 =	vunpack.c.0.s8.s32 v14  }
0x6f: {  	s3 =	rddreg [dreg:$0x2];
	s8 =	stileid.u32;
	s4 =	sand.u32 $0x1, s4;
	v27 =	vsel vm1, $0x1DD, v27;
	v15 =	vunpack.c.0.s8.s32 v15;
	v16 =	vunpack.c.0.s8.s32 v16  }
0x70: {  	s2 =	simm.s32 $0x0;
	s13 =	sshll.u32 s8, $0x11;
	s5 =	sshll.u32 s4, $0x6;
	v28 =	vsel vm1, $0x1E5, v28;
	v11 =	vcombine.low v13, v11;
	v12 =	vsel vm0, v14, v12  }
0x71: {  	s14 =	sshll.u32 s8, $0x7;
	s6 =	sshll.u32 s4, $0x10;
	s1 =	sadd.s32 s5, s1;
	v13 =	vsel vm0, v16, v15;
	v14 =	vimm.s32 $0xEBEAE9E8;
	v15 =	vimm.s32 $0xABAAA9A8  }
0x72: {  	[smem:$0x7FF] =	sst s2;
	s5 =	sor.u32 s6, s13;
	s1 =	sadd.s32 s14, s1;
	v16 =	vimm.s32 $0xAFAEADAC;
	v12 =	vcombine.low v13, v12;
	v13 =	vunpack.c.0.s8.s32 v14  }
0x73: {  	s7 =	ssub.s32 $0x2, s4;
	s4 =	sadd.s32 s3, s5;
	s1 =	sadd.s32 $0x400, s1;
	v14 =	vimm.s32 $0xEFEEEDEC;
	v15 =	vunpack.c.0.s8.s32 v15;
	v16 =	vunpack.c.0.s8.s32 v16  }
0x74: {  	_ =	strace $0x80000047;
	s17 =	sadd.s32 $0x800, s4;
	[dreg:$0x4] =	wrdreg s1;
	v29 =	vsel vm1, $0x1ED, v29;
	v30 =	vsel vm1, $0x1F5, v30;
	v14 =	vunpack.c.0.s8.s32 v14  }
0x75: {  	s18 =	sadd.s32 $0x1000, s4;
	[dreg:$0x5] =	wrdreg s17;
	v31 =	vsel vm1, $0x1FD, v31;
	v20 =	vsel vm15, $0x166, v20;
	v15 =	vsel vm0, v16, v15  }
0x76: {  	s19 =	sadd.s32 $0x1800, s4;
	[dreg:$0x6] =	wrdreg s18;
	v16 =	vimm.s32 $0xF7F6F5F4;
	v13 =	vsel vm0, v14, v13;
	v14 =	vimm.s32 $0xF3F2F1F0  }
0x77: {  	s20 =	sadd.s32 $0x2000, s4;
	[dreg:$0x7] =	wrdreg s19;
	v21 =	vsel vm15, $0x16E, v21;
	v16 =	vunpack.c.0.s8.s32 v16;
	v14 =	vunpack.c.0.s8.s32 v14  }
0x78: {  	s21 =	sadd.s32 $0x2800, s4;
	[dreg:$0x8] =	wrdreg s20;
	v13 =	vcombine.low v15, v13;
	v15 =	vunpack.c.0.s8.s32 v17;
	v17 =	vunpack.c.0.s8.s32 v18  }
0x79: {  	s22 =	sadd.s32 $0x3000, s4;
	[dreg:$0x9] =	wrdreg s21;
	v22 =	vsel vm15, $0x176, v22;
	v14 =	vsel vm0, v16, v14;
	v16 =	vimm.s32 $0x147  }
0x7a: {  	s23 =	sadd.s32 $0x3800, s4;
	[dreg:$0xa] =	wrdreg s22;
	v23 =	vsel vm15, $0x17E, v23;
	v15 =	vsel vm0, v17, v15;
	v16 =	vsel vm14, $0x100, v16  }
0x7b: {  	s24 =	sadd.s32 $0x4000, s4;
	[dreg:$0xb] =	wrdreg s23;
	v24 =	vsel vm15, $0x1C6, v24;
	v14 =	vcombine.low v15, v14;
	v15 =	vsel vm13, $0x101, v16  }
0x7c: {  	s25 =	sadd.s32 $0x4800, s4;
	[dreg:$0xc] =	wrdreg s24;
	v25 =	vsel vm15, $0x1CE, v25;
	v26 =	vsel vm15, $0x1D6, v26;
	v15 =	vsel vm12, $0x102, v15  }
0x7d: {  	s26 =	sadd.s32 $0x5000, s4;
	[dreg:$0xd] =	wrdreg s25;
	v27 =	vsel vm15, $0x1DE, v27;
	v28 =	vsel vm15, $0x1E6, v28;
	v15 =	vsel vm11, $0x103, v15  }
0x7e: {  	s5 =	sadd.s32 $0x5800, s4;
	[dreg:$0xe] =	wrdreg s26;
	v29 =	vsel vm15, $0x1EE, v29;
	v30 =	vsel vm15, $0x1F6, v30;
	v15 =	vsel vm10, $0x104, v15  }
0x7f: {  	s15 =	sshrl.u32 s7, $0x1;
	s6 =	sadd.s32 $0x6000, s4;
	[dreg:$0xf] =	wrdreg s5;
	v31 =	vsel vm15, $0x1FE, v31;
	v9 =	vand.u32 $0xFF, v9;
	v15 =	vsel vm9, $0x105, v15  }
0x80: {  	s16 =	ssub.s32 s7, s15;
	s7 =	sadd.s32 $0x6800, s4;
	[dreg:$0x10] =	wrdreg s6;
	v10 =	vand.u32 $0xFF, v10;
	v18 =	vimm.s32 $0xBBBAB9B8;
	v15 =	vsel vm8, $0x106, v15  }
0x81: {  	s8 =	sadd.s32 $0x7000, s4;
	[dreg:$0x11] =	wrdreg s7;
	v11 =	vand.u32 $0xFF, v11;
	v18 =	vunpack.c.0.s8.s32 v18;
	v15 =	vsel vm7, $0x107, v15  }
0x82: {  	s9 =	sadd.s32 $0x7800, s4;
	[dreg:$0x12] =	wrdreg s8;
	v17 =	vimm.s32 $0xFFFEFDFC;
	v16 =	vimm.s32 $0xFBFAF9F8;
	v15 =	vsel vm6, $0x140, v15  }
0x83: {  	s10 =	sadd.s32 $0x8000, s4;
	[dreg:$0x13] =	wrdreg s9;
	v17 =	vunpack.c.0.s8.s32 v17;
	v16 =	vunpack.c.0.s8.s32 v16;
	v15 =	vsel vm5, $0x141, v15  }
0x84: {  	s11 =	sadd.s32 $0x8800, s4;
	[dreg:$0x14] =	wrdreg s10;
	v12 =	vand.u32 $0xFF, v12;
	v13 =	vand.u32 $0xFF, v13;
	v15 =	vsel vm4, $0x142, v15  }
0x85: {  	s12 =	sadd.s32 $0x9000, s4;
	[dreg:$0x15] =	wrdreg s11;
	v16 =	vsel vm0, v17, v16;
	v17 =	vsel vm0, v19, v18;
	v15 =	vsel vm3, $0x143, v15  }
0x86: {  	s13 =	sadd.s32 $0x9800, s4;
	[dreg:$0x16] =	wrdreg s12;
	v14 =	vand.u32 $0xFF, v14;
	v16 =	vcombine.low v17, v16;
	v15 =	vsel vm2, $0x144, v15  }
0x87: {  	s14 =	smax.u32 s16, $0x1;
	[dreg:$0x17] =	wrdreg s13;
	v18 =	vimm.s32 $0x157;
	v19 =	vimm.s32 $0x15F;
	v17 =	vsel vm1, $0x145, v15  }
0x88: {  	s15 =	sadd.s32 $0xA000, s4;
	[dreg:$0x18] =	wrdreg s14;
	v15 =	vand.u32 $0xFF, v16;
	v16 =	vsel vm15, $0x146, v17;
	v17 =	vimm.s32 $0x14F  }
0x89: {  	s28 =	simm.s32 $0x6;
	s16 =	sadd.s32 $0xA800, s4;
	[dreg:$0x19] =	wrdreg s15;
	v18 =	vsel vm14, $0x110, v18;
	v19 =	vsel vm14, $0x118, v19;
	v17 =	vsel vm14, $0x108, v17  }
0x8a: {  	s29 =	simm.s32 $0xA;
	[dreg:$0x1a] =	wrdreg s16;
	s17 =	sadd.s32 $0xB000, s4;
	v18 =	vsel vm13, $0x111, v18;
	v19 =	vsel vm13, $0x119, v19;
	v17 =	vsel vm13, $0x109, v17  }
0x8b: {  	s30 =	simm.s32 $0xB;
	s18 =	sadd.s32 $0xB800, s4;
	[dreg:$0x1b] =	wrdreg s17;
	v18 =	vsel vm12, $0x112, v18;
	v19 =	vsel vm12, $0x11A, v19;
	v17 =	vsel vm12, $0x10A, v17  }
0x8c: {  	s31 =	simm.s32 $0xC;
	s19 =	sadd.s32 $0xC000, s4;
	[dreg:$0x1c] =	wrdreg s18;
	v18 =	vsel vm11, $0x113, v18;
	v19 =	vsel vm11, $0x11B, v19;
	v17 =	vsel vm11, $0x10B, v17  }
0x8d: {  	s20 =	sadd.s32 $0xC800, s4;
	s21 =	sadd.s32 $0xD000, s4;
	[dreg:$0x1d] =	wrdreg s19;
	v18 =	vsel vm10, $0x114, v18;
	v19 =	vsel vm10, $0x11C, v19;
	v17 =	vsel vm10, $0x10C, v17  }
0x8e: {  	s22 =	sadd.s32 $0xD800, s4;
	s23 =	sadd.s32 $0xE000, s4;
	[dreg:$0x1e] =	wrdreg s20;
	v18 =	vsel vm9, $0x115, v18;
	v19 =	vsel vm9, $0x11D, v19;
	v17 =	vsel vm9, $0x10D, v17  }
0x8f: {  	s24 =	sadd.s32 $0xE800, s4;
	s25 =	sadd.s32 $0xF000, s4;
	[dreg:$0x1f] =	wrdreg s21;
	v18 =	vsel vm8, $0x116, v18;
	v19 =	vsel vm8, $0x11E, v19;
	v17 =	vsel vm8, $0x10E, v17  }
0x90: {  	s26 =	sadd.s32 $0xF800, s4;
	s10 =	simm.s32 $0xD;
	[smem:$0x7F9] =	sst s22;
	v18 =	vsel vm7, $0x117, v18;
	v19 =	vsel vm7, $0x11F, v19;
	v17 =	vsel vm7, $0x10F, v17  }
0x91: {  	s11 =	simm.s32 $0x80;
	s12 =	simm.s32 $0x1200;
	[smem:$0x7FA] =	sst s23;
	v18 =	vsel vm6, $0x150, v18;
	v19 =	vsel vm6, $0x158, v19;
	v17 =	vsel vm6, $0x148, v17  }
0x92: {  	s13 =	simm.s32 $0x5200;
	s14 =	simm.s32 $0x9200;
	[smem:$0x7FB] =	sst s24;
	v18 =	vsel vm5, $0x151, v18;
	v19 =	vsel vm5, $0x159, v19;
	v17 =	vsel vm5, $0x149, v17  }
0x93: {  	s15 =	simm.s32 $0xD200;
	s16 =	simm.s32 $0x200;
	[smem:$0x7FC] =	sst s25;
	v18 =	vsel vm4, $0x152, v18;
	v19 =	vsel vm4, $0x15A, v19;
	v17 =	vsel vm4, $0x14A, v17  }
0x94: {  	s1 =	simm.s32 $0x0;
	[smem:$0x7FD] =	sst s26;
	s17 =	simm.s32 $0x1;
	v18 =	vsel vm3, $0x153, v18;
	v19 =	vsel vm3, $0x15B, v19;
	v17 =	vsel vm3, $0x14B, v17  }
0x95: {  	s18 =	simm.s32 $0x11200;
	s19 =	simm.s32 $0x2;
	s20 =	simm.s32 $0x15200;
	v18 =	vsel vm2, $0x154, v18;
	v19 =	vsel vm2, $0x15C, v19;
	v17 =	vsel vm2, $0x14C, v17  }
0x96: {  	s21 =	simm.s32 $0x3;
	s22 =	simm.s32 $0x7;
	s23 =	simm.s32 $0x4;
	v18 =	vsel vm1, $0x155, v18;
	v19 =	vsel vm1, $0x15D, v19;
	v17 =	vsel vm1, $0x14D, v17  }
0x97: {  	s24 =	simm.s32 $0x8;
	s25 =	simm.s32 $0x5;
	s26 =	simm.s32 $0x9;
	v18 =	vsel vm15, $0x156, v18;
	v19 =	vsel vm15, $0x15E, v19;
	v17 =	vsel vm15, $0x14E, v17  }
.LBB2_1:
0x98: {  	s3 =	rddreg [dreg:$0x4]  }
0x99: {  	[tilespmem:s2], [sflag:$0xD] =	stream.linear.gather [hbm4b:s3+s2], $0x200, $0x38;
	[tilespmem:$0x19200] =	vst v63  }
0x9a: {  	_ =	swait.ge [sflag:s10], $0x200  }
0x9b: {  	[sflag:s10] =	ssyncset.done $0x0  }
0x9c: {  	[sflag:s10] =	ssyncadd.s32 $0xFFFFFE00  }
0x9d: {  	v32 =	vld [tilespmem:$0x0];
	_ =	sdelay $0x4  }
0x9e: {  	v32 =	vshll.u32 v32, $0x3  }
0x9f: {  	[tilespmem:v0+s16+$0x0] =	vst.idx.msk $0xffff, v32;
	v33 =	vor.u32 $0x1, v32  }
0xa0: {  	v60 =	vor.u32 $0x2, v32;
	[tilespmem:v1+s16+$0x0] =	vst.idx.msk $0xffff, v33  }
0xa1: {  	v61 =	vor.u32 $0x3, v32;
	[tilespmem:v2+s16+$0x0] =	vst.idx.msk $0xffff, v60  }
0xa2: {  	v62 =	vor.u32 $0x4, v32;
	[tilespmem:v3+s16+$0x0] =	vst.idx.msk $0xffff, v61  }
0xa3: {  	v63 =	vor.u32 $0x5, v32;
	[tilespmem:v4+s16+$0x0] =	vst.idx.msk $0xffff, v62  }
0xa4: {  	v36 =	vor.u32 $0x6, v32;
	[tilespmem:v5+s16+$0x0] =	vst.idx.msk $0xffff, v63  }
0xa5: {  	v32 =	vor.u32 $0x7, v32;
	[tilespmem:v6+s16+$0x0] =	vst.idx.msk $0xffff, v36  }
0xa6: {  	[tilespmem:v7+s16+$0x0] =	vst.idx.msk $0xffff, v32  }
0xa7: {  	[tilespmem:s12], [sflag:$0x1] =	stream.indirect.gather [hbm4b:s0+s11], $0x80, s16, s11, $0xb8;
	[tilespmem:$0x19200] =	vst v63  }
0xa8: {  	v32 =	vld [tilespmem:$0x10];
	_ =	sdelay $0x4  }
0xa9: {  	v32 =	vshll.u32 v32, $0x3  }
0xaa: {  	[tilespmem:v8+s16+$0x0] =	vst.idx.msk $0xffff, v32;
	v37 =	vor.u32 $0x1, v32  }
0xab: {  	v38 =	vor.u32 $0x2, v32;
	[tilespmem:v9+s16+$0x0] =	vst.idx.msk $0xffff, v37  }
0xac: {  	v39 =	vor.u32 $0x3, v32;
	[tilespmem:v10+s16+$0x0] =	vst.idx.msk $0xffff, v38  }
0xad: {  	v40 =	vor.u32 $0x4, v32;
	[tilespmem:v11+s16+$0x0] =	vst.idx.msk $0xffff, v39  }
0xae: {  	v41 =	vor.u32 $0x5, v32;
	[tilespmem:v12+s16+$0x0] =	vst.idx.msk $0xffff, v40  }
0xaf: {  	v42 =	vor.u32 $0x6, v32;
	[tilespmem:v13+s16+$0x0] =	vst.idx.msk $0xffff, v41  }
0xb0: {  	v32 =	vor.u32 $0x7, v32;
	[tilespmem:v14+s16+$0x0] =	vst.idx.msk $0xffff, v42  }
0xb1: {  	s9 =	simm.s32 $0x280;
	[tilespmem:v15+s16+$0x0] =	vst.idx.msk $0xffff, v32  }
0xb2: {  	[tilespmem:s13], [sflag:$0x2] =	stream.indirect.gather [hbm4b:s0+s11], $0x80, s9, s11, $0xb8;
	[tilespmem:$0x19200] =	vst v63  }
0xb3: {  	v32 =	vld [tilespmem:$0x20];
	_ =	sdelay $0x4  }
0xb4: {  	v32 =	vshll.u32 v32, $0x3  }
0xb5: {  	[tilespmem:v16+s16+$0x0] =	vst.idx.msk $0xffff, v32;
	v43 =	vor.u32 $0x1, v32  }
0xb6: {  	v44 =	vor.u32 $0x2, v32;
	[tilespmem:v17+s16+$0x0] =	vst.idx.msk $0xffff, v43  }
0xb7: {  	v45 =	vor.u32 $0x3, v32;
	[tilespmem:v18+s16+$0x0] =	vst.idx.msk $0xffff, v44  }
0xb8: {  	v46 =	vor.u32 $0x4, v32;
	[tilespmem:v19+s16+$0x0] =	vst.idx.msk $0xffff, v45  }
0xb9: {  	v47 =	vor.u32 $0x5, v32;
	[tilespmem:v20+s16+$0x0] =	vst.idx.msk $0xffff, v46  }
0xba: {  	v48 =	vor.u32 $0x6, v32;
	[tilespmem:v21+s16+$0x0] =	vst.idx.msk $0xffff, v47  }
0xbb: {  	v32 =	vor.u32 $0x7, v32;
	[tilespmem:v22+s16+$0x0] =	vst.idx.msk $0xffff, v48  }
0xbc: {  	s5 =	simm.s32 $0x300;
	[tilespmem:v23+s16+$0x0] =	vst.idx.msk $0xffff, v32  }
0xbd: {  	[tilespmem:s14], [sflag:$0x3] =	stream.indirect.gather [hbm4b:s0+s11], $0x80, s5, s11, $0xb8;
	[tilespmem:$0x19200] =	vst v63  }
0xbe: {  	v32 =	vld [tilespmem:$0x30];
	_ =	sdelay $0x4  }
0xbf: {  	v32 =	vshll.u32 v32, $0x3  }
0xc0: {  	[tilespmem:v24+s16+$0x0] =	vst.idx.msk $0xffff, v32;
	v49 =	vor.u32 $0x1, v32  }
0xc1: {  	v50 =	vor.u32 $0x2, v32;
	[tilespmem:v25+s16+$0x0] =	vst.idx.msk $0xffff, v49  }
0xc2: {  	v51 =	vor.u32 $0x3, v32;
	[tilespmem:v26+s16+$0x0] =	vst.idx.msk $0xffff, v50  }
0xc3: {  	v52 =	vor.u32 $0x4, v32;
	[tilespmem:v27+s16+$0x0] =	vst.idx.msk $0xffff, v51  }
0xc4: {  	s7 =	simm.s32 $0x100;
	v53 =	vor.u32 $0x5, v32;
	[tilespmem:v28+s16+$0x0] =	vst.idx.msk $0xffff, v52  }
0xc5: {  	s3 =	sand.u32 $0x600, s7;
	s5 =	simm.s32 $0x40;
	v54 =	vor.u32 $0x6, v32;
	[tilespmem:v29+s16+$0x0] =	vst.idx.msk $0xffff, v53  }
0xc6: {  	s3 =	sshrl.u32 s3, $0x2;
	s5 =	sand.u32 $0x70, s5;
	v32 =	vor.u32 $0x7, v32;
	[tilespmem:v30+s16+$0x0] =	vst.idx.msk $0xffff, v54  }
0xc7: {  	s6 =	simm.s32 $0x380;
	s3 =	sor.u32 s5, s3;
	[tilespmem:v31+s16+$0x0] =	vst.idx.msk $0xffff, v32  }
0xc8: {  	[tilespmem:s15], [sflag:$0x4] =	stream.indirect.gather [hbm4b:s0+s11], $0x80, s6, s11, $0xb8;
	[tilespmem:$0x19200] =	vst v63  }
0xc9: {  	v32 =	vld [tilespmem:s3+$0x0]  }
0xca: {  	v55 =	vor.u32 s16, v0  }
0xcb: {  	v34 =	vor.u32 s16, v1  }
0xcc: {  	v35 =	vor.u32 s16, v2  }
0xcd: {  	v36 =	vor.u32 s16, v3  }
0xce: {  	v56 =	vor.u32 s16, v4;
	v37 =	vshll.u32 v32, $0x3  }
0xcf: {  	v38 =	vor.u32 s16, v5;
	[tilespmem:v55+s16+$0x0] =	vst.idx.msk $0xffff, v37;
	v57 =	vor.u32 $0x1, v37  }
0xd0: {  	v59 =	vor.u32 s16, v6;
	v58 =	vor.u32 $0x2, v37;
	[tilespmem:v34+s16+$0x0] =	vst.idx.msk $0xffff, v57  }
0xd1: {  	v60 =	vor.u32 $0x3, v37;
	[tilespmem:v35+s16+$0x0] =	vst.idx.msk $0xffff, v58  }
0xd2: {  	s8 =	simm.s32 $0x140;
	v32 =	vor.u32 s16, v7;
	v61 =	vor.u32 $0x4, v37;
	[tilespmem:v36+s16+$0x0] =	vst.idx.msk $0xffff, v60  }
0xd3: {  	s9 =	sand.u32 $0x600, s8;
	v62 =	vor.u32 $0x5, v37;
	[tilespmem:v56+s16+$0x0] =	vst.idx.msk $0xffff, v61  }
0xd4: {  	s8 =	sshrl.u32 s9, $0x2;
	s3 =	simm.s32 $0x50;
	v63 =	vor.u32 $0x6, v37;
	[tilespmem:v38+s16+$0x0] =	vst.idx.msk $0xffff, v62  }
0xd5: {  	s5 =	simm.s32 $0x200;
	s6 =	simm.s32 $0x180;
	s7 =	sand.u32 $0x70, s3;
	v33 =	vor.u32 $0x7, v37;
	[tilespmem:v59+s16+$0x0] =	vst.idx.msk $0xffff, v63  }
.LBB2_2:
0xd6: {  	s7 =	sor.u32 s7, s8  }
0xd7: {  	[tilespmem:v32+s16+$0x0] =	vst.idx.msk $0xffff, v33;
	s5 =	sadd.s32 $0x80, s5;
	s8 =	smov.u32 s6;
	s9 =	sadd.s32 $0x40, s6  }
0xd8: {  	p0 =	sne.s32 s6, $0x7C0;
	v32 =	vld [tilespmem:s7+$0x0]  }
0xd9: {  	v33 =	vor.u32 s5, v0  }
0xda: {  	v34 =	vor.u32 s5, v1  }
0xdb: {  	v35 =	vor.u32 s5, v2  }
0xdc: {  	v36 =	vor.u32 s5, v3  }
0xdd: {  	v38 =	vor.u32 s5, v4;
	v37 =	vshll.u32 v32, $0x3  }
0xde: {  	[tilespmem:v33+s16+$0x0] =	vst.idx.msk $0xffff, v37;
	v32 =	vor.u32 $0x1, v37;
	v33 =	vor.u32 s5, v5  }
0xdf: {  	[tilespmem:v34+s16+$0x0] =	vst.idx.msk $0xffff, v32;
	v32 =	vor.u32 $0x2, v37;
	v34 =	vor.u32 s5, v6  }
.Ltmp0:
0xe0: {  	[tilespmem:v35+s16+$0x0] =	vst.idx.msk $0xffff, v32;
	v35 =	vor.u32 $0x3, v37;
	v32 =	vor.u32 s5, v7;
	(pc) =	sbr.rel @p0 .LBB2_2-.Ltmp0, $4  }
0xe1: {  	[tilespmem:v36+s16+$0x0] =	vst.idx.msk $0xffff, v35;
	v35 =	vor.u32 $0x4, v37  }
0xe2: {  	[tilespmem:v38+s16+$0x0] =	vst.idx.msk $0xffff, v35;
	v35 =	vor.u32 $0x5, v37  }
0xe3: {  	s3 =	sadd.s32 $0x10, s3;
	s6 =	sand.u32 $0x600, s8;
	[tilespmem:v33+s16+$0x0] =	vst.idx.msk $0xffff, v35;
	v33 =	vor.u32 $0x6, v37  }
0xe4: {  	s7 =	sand.u32 $0x70, s3;
	s8 =	sshrl.u32 s6, $0x2;
	s6 =	smov.u32 s9;
	[tilespmem:v34+s16+$0x0] =	vst.idx.msk $0xffff, v33;
	v33 =	vor.u32 $0x7, v37  }
0xe5: {  	_ =	sdelay $0x3  }
0xe6: {  	s3 =	sor.u32 s7, s8;
	[tilespmem:v32+s16+$0x0] =	vst.idx.msk $0xffff, v33  }
0xe7: {  	s9 =	sadd.s32 $0x80, s5;
	v32 =	vld [tilespmem:s3+$0x0]  }
0xe8: {  	v56 =	vor.u32 s9, v0  }
0xe9: {  	v34 =	vor.u32 s9, v1  }
0xea: {  	v35 =	vor.u32 s9, v2  }
0xeb: {  	v36 =	vor.u32 s9, v3  }
0xec: {  	v37 =	vor.u32 s9, v4;
	v32 =	vshll.u32 v32, $0x3  }
0xed: {  	v38 =	vor.u32 s9, v5;
	[tilespmem:v56+s16+$0x0] =	vst.idx.msk $0xffff, v32;
	v57 =	vor.u32 $0x1, v32  }
0xee: {  	v59 =	vor.u32 s9, v6;
	v58 =	vor.u32 $0x2, v32;
	[tilespmem:v34+s16+$0x0] =	vst.idx.msk $0xffff, v57  }
0xef: {  	v39 =	vor.u32 s9, v7;
	v60 =	vor.u32 $0x3, v32;
	[tilespmem:v35+s16+$0x0] =	vst.idx.msk $0xffff, v58  }
0xf0: {  	v61 =	vor.u32 $0x4, v32;
	[tilespmem:v36+s16+$0x0] =	vst.idx.msk $0xffff, v60  }
0xf1: {  	v62 =	vor.u32 $0x5, v32;
	[tilespmem:v37+s16+$0x0] =	vst.idx.msk $0xffff, v61  }
0xf2: {  	v63 =	vor.u32 $0x6, v32;
	[tilespmem:v38+s16+$0x0] =	vst.idx.msk $0xffff, v62  }
0xf3: {  	v32 =	vor.u32 $0x7, v32;
	[tilespmem:v59+s16+$0x0] =	vst.idx.msk $0xffff, v63  }
0xf4: {  	[tilespmem:v39+s16+$0x0] =	vst.idx.msk $0xffff, v32  }
0xf5: {  	_ =	swait.ge [sflag:s17], $0x4000  }
0xf6: {  	[sflag:s17] =	ssyncset.done $0x0  }
0xf7: {  	[sflag:s17] =	ssyncadd.s32 $0xFFFFC000  }
0xf8: {  	[hbm4b:s4+s2] =	stream.linear.scatter [tilespmem:s12], [sflag:$0x7], $0x4000, $0x38;
	[tilespmem:$0x19200] =	vst v63  }
0xf9: {  	s5 =	simm.s32 $0x400  }
0xfa: {  	[tilespmem:s18], [sflag:$0x5] =	stream.indirect.gather [hbm4b:s0+s11], $0x80, s5, s11, $0xb8;
	[tilespmem:$0x19200] =	vst v63  }
0xfb: {  	_ =	swait.ge [sflag:s19], $0x4000  }
0xfc: {  	[sflag:s19] =	ssyncset.done $0x0  }
0xfd: {  	s6 =	rddreg [dreg:$0x5];
	[sflag:s19] =	ssyncadd.s32 $0xFFFFC000  }
0xfe: {  	[hbm4b:s6+s2] =	stream.linear.scatter [tilespmem:s13], [sflag:$0x8], $0x4000, $0x38;
	[tilespmem:$0x19200] =	vst v63  }
0xff: {  	s7 =	simm.s32 $0x480  }
0x100: {  	[tilespmem:s20], [sflag:$0x6] =	stream.indirect.gather [hbm4b:s0+s11], $0x80, s7, s11, $0xb8;
	[tilespmem:$0x19200] =	vst v63  }
0x101: {  	_ =	swait.ge [sflag:s21], $0x4000  }
0x102: {  	[sflag:s21] =	ssyncset.done $0x0  }
0x103: {  	s8 =	rddreg [dreg:$0x6];
	[sflag:s21] =	ssyncadd.s32 $0xFFFFC000  }
0x104: {  	[hbm4b:s8+s2] =	stream.linear.scatter [tilespmem:s14], [sflag:$0x9], $0x4000, $0x38;
	[tilespmem:$0x19200] =	vst v63  }
0x105: {  	_ =	swait.ge [sflag:s22], $0x4000  }
0x106: {  	[sflag:s22] =	ssyncset.done $0x0  }
0x107: {  	s9 =	simm.s32 $0x500;
	[sflag:s22] =	ssyncadd.s32 $0xFFFFC000  }
0x108: {  	[tilespmem:s12], [sflag:$0x1] =	stream.indirect.gather [hbm4b:s0+s11], $0x80, s9, s11, $0xb8;
	[tilespmem:$0x19200] =	vst v63  }
0x109: {  	_ =	swait.ge [sflag:s23], $0x4000  }
0x10a: {  	[sflag:s23] =	ssyncset.done $0x0  }
0x10b: {  	s5 =	rddreg [dreg:$0x7];
	[sflag:s23] =	ssyncadd.s32 $0xFFFFC000  }
0x10c: {  	[hbm4b:s5+s2] =	stream.linear.scatter [tilespmem:s15], [sflag:$0xA], $0x4000, $0x38;
	[tilespmem:$0x19200] =	vst v63  }
0x10d: {  	_ =	swait.ge [sflag:s24], $0x4000  }
0x10e: {  	[sflag:s24] =	ssyncset.done $0x0  }
0x10f: {  	s6 =	simm.s32 $0x580;
	[sflag:s24] =	ssyncadd.s32 $0xFFFFC000  }
0x110: {  	[tilespmem:s13], [sflag:$0x2] =	stream.indirect.gather [hbm4b:s0+s11], $0x80, s6, s11, $0xb8;
	[tilespmem:$0x19200] =	vst v63  }
0x111: {  	_ =	swait.ge [sflag:s25], $0x4000  }
0x112: {  	[sflag:s25] =	ssyncset.done $0x0  }
0x113: {  	s7 =	rddreg [dreg:$0x8];
	[sflag:s25] =	ssyncadd.s32 $0xFFFFC000  }
0x114: {  	[hbm4b:s7+s2] =	stream.linear.scatter [tilespmem:s18], [sflag:$0xB], $0x4000, $0x38;
	[tilespmem:$0x19200] =	vst v63  }
0x115: {  	_ =	swait.ge [sflag:s26], $0x4000  }
0x116: {  	[sflag:s26] =	ssyncset.done $0x0  }
0x117: {  	s8 =	simm.s32 $0x600;
	[sflag:s26] =	ssyncadd.s32 $0xFFFFC000  }
0x118: {  	[tilespmem:s14], [sflag:$0x3] =	stream.indirect.gather [hbm4b:s0+s11], $0x80, s8, s11, $0xb8;
	[tilespmem:$0x19200] =	vst v63  }
0x119: {  	_ =	swait.ge [sflag:s28], $0x4000  }
0x11a: {  	[sflag:s28] =	ssyncset.done $0x0  }
0x11b: {  	s9 =	rddreg [dreg:$0x9];
	[sflag:s28] =	ssyncadd.s32 $0xFFFFC000  }
0x11c: {  	[hbm4b:s9+s2] =	stream.linear.scatter [tilespmem:s20], [sflag:$0xC], $0x4000, $0x38;
	[tilespmem:$0x19200] =	vst v63  }
0x11d: {  	_ =	swait.ge [sflag:s29], $0x4000  }
0x11e: {  	[sflag:s29] =	ssyncset.done $0x0  }
0x11f: {  	s5 =	simm.s32 $0x680;
	[sflag:s29] =	ssyncadd.s32 $0xFFFFC000  }
0x120: {  	[tilespmem:s15], [sflag:$0x4] =	stream.indirect.gather [hbm4b:s0+s11], $0x80, s5, s11, $0xb8;
	[tilespmem:$0x19200] =	vst v63  }
0x121: {  	_ =	swait.ge [sflag:s17], $0x4000  }
0x122: {  	[sflag:s17] =	ssyncset.done $0x0  }
0x123: {  	s6 =	rddreg [dreg:$0xa];
	[sflag:s17] =	ssyncadd.s32 $0xFFFFC000  }
0x124: {  	[hbm4b:s6+s2] =	stream.linear.scatter [tilespmem:s12], [sflag:$0x7], $0x4000, $0x38;
	[tilespmem:$0x19200] =	vst v63  }
0x125: {  	_ =	swait.ge [sflag:s30], $0x4000  }
0x126: {  	[sflag:s30] =	ssyncset.done $0x0  }
0x127: {  	s7 =	simm.s32 $0x700;
	[sflag:s30] =	ssyncadd.s32 $0xFFFFC000  }
0x128: {  	[tilespmem:s18], [sflag:$0x5] =	stream.indirect.gather [hbm4b:s0+s11], $0x80, s7, s11, $0xb8;
	[tilespmem:$0x19200] =	vst v63  }
0x129: {  	_ =	swait.ge [sflag:s19], $0x4000  }
0x12a: {  	[sflag:s19] =	ssyncset.done $0x0  }
0x12b: {  	s8 =	rddreg [dreg:$0xb];
	[sflag:s19] =	ssyncadd.s32 $0xFFFFC000  }
0x12c: {  	[hbm4b:s8+s2] =	stream.linear.scatter [tilespmem:s13], [sflag:$0x8], $0x4000, $0x38;
	[tilespmem:$0x19200] =	vst v63  }
0x12d: {  	_ =	swait.ge [sflag:s31], $0x4000  }
0x12e: {  	[sflag:s31] =	ssyncset.done $0x0  }
0x12f: {  	s9 =	simm.s32 $0x780;
	[sflag:s31] =	ssyncadd.s32 $0xFFFFC000  }
0x130: {  	[tilespmem:s20], [sflag:$0x6] =	stream.indirect.gather [hbm4b:s0+s11], $0x80, s9, s11, $0xb8;
	[tilespmem:$0x19200] =	vst v63  }
0x131: {  	_ =	swait.ge [sflag:s21], $0x4000  }
0x132: {  	[sflag:s21] =	ssyncset.done $0x0  }
0x133: {  	s5 =	rddreg [dreg:$0xc];
	[sflag:s21] =	ssyncadd.s32 $0xFFFFC000  }
0x134: {  	[hbm4b:s5+s2] =	stream.linear.scatter [tilespmem:s14], [sflag:$0x9], $0x4000, $0x38;
	[tilespmem:$0x19200] =	vst v63  }
0x135: {  	_ =	swait.ge [sflag:s22], $0x4000  }
0x136: {  	[sflag:s22] =	ssyncset.done $0x0  }
0x137: {  	s6 =	simm.s32 $0x800;
	[sflag:s22] =	ssyncadd.s32 $0xFFFFC000  }
0x138: {  	[tilespmem:s12], [sflag:$0x1] =	stream.indirect.gather [hbm4b:s0+s11], $0x80, s6, s11, $0xb8;
	[tilespmem:$0x19200] =	vst v63  }
0x139: {  	_ =	swait.ge [sflag:s23], $0x4000  }
0x13a: {  	[sflag:s23] =	ssyncset.done $0x0  }
0x13b: {  	s7 =	rddreg [dreg:$0xd];
	[sflag:s23] =	ssyncadd.s32 $0xFFFFC000  }
0x13c: {  	[hbm4b:s7+s2] =	stream.linear.scatter [tilespmem:s15], [sflag:$0xA], $0x4000, $0x38;
	[tilespmem:$0x19200] =	vst v63  }
0x13d: {  	_ =	swait.ge [sflag:s24], $0x4000  }
0x13e: {  	[sflag:s24] =	ssyncset.done $0x0  }
0x13f: {  	s8 =	simm.s32 $0x880;
	[sflag:s24] =	ssyncadd.s32 $0xFFFFC000  }
0x140: {  	[tilespmem:s13], [sflag:$0x2] =	stream.indirect.gather [hbm4b:s0+s11], $0x80, s8, s11, $0xb8;
	[tilespmem:$0x19200] =	vst v63  }
0x141: {  	_ =	swait.ge [sflag:s25], $0x4000  }
0x142: {  	[sflag:s25] =	ssyncset.done $0x0  }
0x143: {  	s9 =	rddreg [dreg:$0xe];
	[sflag:s25] =	ssyncadd.s32 $0xFFFFC000  }
0x144: {  	[hbm4b:s9+s2] =	stream.linear.scatter [tilespmem:s18], [sflag:$0xB], $0x4000, $0x38;
	[tilespmem:$0x19200] =	vst v63  }
0x145: {  	_ =	swait.ge [sflag:s26], $0x4000  }
0x146: {  	[sflag:s26] =	ssyncset.done $0x0  }
0x147: {  	s5 =	simm.s32 $0x900;
	[sflag:s26] =	ssyncadd.s32 $0xFFFFC000  }
0x148: {  	[tilespmem:s14], [sflag:$0x3] =	stream.indirect.gather [hbm4b:s0+s11], $0x80, s5, s11, $0xb8;
	[tilespmem:$0x19200] =	vst v63  }
0x149: {  	_ =	swait.ge [sflag:s28], $0x4000  }
0x14a: {  	[sflag:s28] =	ssyncset.done $0x0  }
0x14b: {  	s6 =	rddreg [dreg:$0xf];
	[sflag:s28] =	ssyncadd.s32 $0xFFFFC000  }
0x14c: {  	[hbm4b:s6+s2] =	stream.linear.scatter [tilespmem:s20], [sflag:$0xC], $0x4000, $0x38;
	[tilespmem:$0x19200] =	vst v63  }
0x14d: {  	_ =	swait.ge [sflag:s29], $0x4000  }
0x14e: {  	[sflag:s29] =	ssyncset.done $0x0  }
0x14f: {  	s7 =	simm.s32 $0x980;
	[sflag:s29] =	ssyncadd.s32 $0xFFFFC000  }
0x150: {  	[tilespmem:s15], [sflag:$0x4] =	stream.indirect.gather [hbm4b:s0+s11], $0x80, s7, s11, $0xb8;
	[tilespmem:$0x19200] =	vst v63  }
0x151: {  	_ =	swait.ge [sflag:s17], $0x4000  }
0x152: {  	[sflag:s17] =	ssyncset.done $0x0  }
0x153: {  	s8 =	rddreg [dreg:$0x10];
	[sflag:s17] =	ssyncadd.s32 $0xFFFFC000  }
0x154: {  	[hbm4b:s8+s2] =	stream.linear.scatter [tilespmem:s12], [sflag:$0x7], $0x4000, $0x38;
	[tilespmem:$0x19200] =	vst v63  }
0x155: {  	_ =	swait.ge [sflag:s30], $0x4000  }
0x156: {  	[sflag:s30] =	ssyncset.done $0x0  }
0x157: {  	s9 =	simm.s32 $0xA00;
	[sflag:s30] =	ssyncadd.s32 $0xFFFFC000  }
0x158: {  	[tilespmem:s18], [sflag:$0x5] =	stream.indirect.gather [hbm4b:s0+s11], $0x80, s9, s11, $0xb8;
	[tilespmem:$0x19200] =	vst v63  }
0x159: {  	_ =	swait.ge [sflag:s19], $0x4000  }
0x15a: {  	[sflag:s19] =	ssyncset.done $0x0  }
0x15b: {  	s5 =	rddreg [dreg:$0x11];
	[sflag:s19] =	ssyncadd.s32 $0xFFFFC000  }
0x15c: {  	[hbm4b:s5+s2] =	stream.linear.scatter [tilespmem:s13], [sflag:$0x8], $0x4000, $0x38;
	[tilespmem:$0x19200] =	vst v63  }
0x15d: {  	_ =	swait.ge [sflag:s31], $0x4000  }
0x15e: {  	[sflag:s31] =	ssyncset.done $0x0  }
0x15f: {  	s6 =	simm.s32 $0xA80;
	[sflag:s31] =	ssyncadd.s32 $0xFFFFC000  }
0x160: {  	[tilespmem:s20], [sflag:$0x6] =	stream.indirect.gather [hbm4b:s0+s11], $0x80, s6, s11, $0xb8;
	[tilespmem:$0x19200] =	vst v63  }
0x161: {  	_ =	swait.ge [sflag:s21], $0x4000  }
0x162: {  	[sflag:s21] =	ssyncset.done $0x0  }
0x163: {  	s7 =	rddreg [dreg:$0x12];
	[sflag:s21] =	ssyncadd.s32 $0xFFFFC000  }
0x164: {  	[hbm4b:s7+s2] =	stream.linear.scatter [tilespmem:s14], [sflag:$0x9], $0x4000, $0x38;
	[tilespmem:$0x19200] =	vst v63  }
0x165: {  	_ =	swait.ge [sflag:s22], $0x4000  }
0x166: {  	[sflag:s22] =	ssyncset.done $0x0  }
0x167: {  	s8 =	simm.s32 $0xB00;
	[sflag:s22] =	ssyncadd.s32 $0xFFFFC000  }
0x168: {  	[tilespmem:s12], [sflag:$0x1] =	stream.indirect.gather [hbm4b:s0+s11], $0x80, s8, s11, $0xb8;
	[tilespmem:$0x19200] =	vst v63  }
0x169: {  	_ =	swait.ge [sflag:s23], $0x4000  }
0x16a: {  	[sflag:s23] =	ssyncset.done $0x0  }
0x16b: {  	s9 =	rddreg [dreg:$0x13];
	[sflag:s23] =	ssyncadd.s32 $0xFFFFC000  }
0x16c: {  	[hbm4b:s9+s2] =	stream.linear.scatter [tilespmem:s15], [sflag:$0xA], $0x4000, $0x38;
	[tilespmem:$0x19200] =	vst v63  }
0x16d: {  	_ =	swait.ge [sflag:s24], $0x4000  }
0x16e: {  	[sflag:s24] =	ssyncset.done $0x0  }
0x16f: {  	s5 =	simm.s32 $0xB80;
	[sflag:s24] =	ssyncadd.s32 $0xFFFFC000  }
0x170: {  	[tilespmem:s13], [sflag:$0x2] =	stream.indirect.gather [hbm4b:s0+s11], $0x80, s5, s11, $0xb8;
	[tilespmem:$0x19200] =	vst v63  }
0x171: {  	_ =	swait.ge [sflag:s25], $0x4000  }
0x172: {  	[sflag:s25] =	ssyncset.done $0x0  }
0x173: {  	s6 =	rddreg [dreg:$0x14];
	[sflag:s25] =	ssyncadd.s32 $0xFFFFC000  }
0x174: {  	[hbm4b:s6+s2] =	stream.linear.scatter [tilespmem:s18], [sflag:$0xB], $0x4000, $0x38;
	[tilespmem:$0x19200] =	vst v63  }
0x175: {  	_ =	swait.ge [sflag:s26], $0x4000  }
0x176: {  	[sflag:s26] =	ssyncset.done $0x0  }
0x177: {  	s7 =	simm.s32 $0xC00;
	[sflag:s26] =	ssyncadd.s32 $0xFFFFC000  }
0x178: {  	[tilespmem:s14], [sflag:$0x3] =	stream.indirect.gather [hbm4b:s0+s11], $0x80, s7, s11, $0xb8;
	[tilespmem:$0x19200] =	vst v63  }
0x179: {  	_ =	swait.ge [sflag:s28], $0x4000  }
0x17a: {  	[sflag:s28] =	ssyncset.done $0x0  }
0x17b: {  	s8 =	rddreg [dreg:$0x15];
	[sflag:s28] =	ssyncadd.s32 $0xFFFFC000  }
0x17c: {  	[hbm4b:s8+s2] =	stream.linear.scatter [tilespmem:s20], [sflag:$0xC], $0x4000, $0x38;
	[tilespmem:$0x19200] =	vst v63  }
0x17d: {  	_ =	swait.ge [sflag:s29], $0x4000  }
0x17e: {  	[sflag:s29] =	ssyncset.done $0x0  }
0x17f: {  	s9 =	simm.s32 $0xC80;
	[sflag:s29] =	ssyncadd.s32 $0xFFFFC000  }
0x180: {  	[tilespmem:s15], [sflag:$0x4] =	stream.indirect.gather [hbm4b:s0+s11], $0x80, s9, s11, $0xb8;
	[tilespmem:$0x19200] =	vst v63  }
0x181: {  	_ =	swait.ge [sflag:s17], $0x4000  }
0x182: {  	[sflag:s17] =	ssyncset.done $0x0  }
0x183: {  	s5 =	rddreg [dreg:$0x16];
	[sflag:s17] =	ssyncadd.s32 $0xFFFFC000  }
0x184: {  	[hbm4b:s5+s2] =	stream.linear.scatter [tilespmem:s12], [sflag:$0x7], $0x4000, $0x38;
	[tilespmem:$0x19200] =	vst v63  }
0x185: {  	_ =	swait.ge [sflag:s30], $0x4000  }
0x186: {  	[sflag:s30] =	ssyncset.done $0x0  }
0x187: {  	s6 =	simm.s32 $0xD00;
	[sflag:s30] =	ssyncadd.s32 $0xFFFFC000  }
0x188: {  	[tilespmem:s18], [sflag:$0x5] =	stream.indirect.gather [hbm4b:s0+s11], $0x80, s6, s11, $0xb8;
	[tilespmem:$0x19200] =	vst v63  }
0x189: {  	_ =	swait.ge [sflag:s19], $0x4000  }
0x18a: {  	[sflag:s19] =	ssyncset.done $0x0  }
0x18b: {  	s7 =	rddreg [dreg:$0x17];
	[sflag:s19] =	ssyncadd.s32 $0xFFFFC000  }
0x18c: {  	[hbm4b:s7+s2] =	stream.linear.scatter [tilespmem:s13], [sflag:$0x8], $0x4000, $0x38;
	[tilespmem:$0x19200] =	vst v63  }
0x18d: {  	_ =	swait.ge [sflag:s31], $0x4000  }
0x18e: {  	[sflag:s31] =	ssyncset.done $0x0  }
0x18f: {  	s8 =	simm.s32 $0xD80;
	[sflag:s31] =	ssyncadd.s32 $0xFFFFC000  }
0x190: {  	[tilespmem:s20], [sflag:$0x6] =	stream.indirect.gather [hbm4b:s0+s11], $0x80, s8, s11, $0xb8;
	[tilespmem:$0x19200] =	vst v63  }
0x191: {  	_ =	swait.ge [sflag:s21], $0x4000  }
0x192: {  	[sflag:s21] =	ssyncset.done $0x0  }
0x193: {  	s9 =	rddreg [dreg:$0x19];
	[sflag:s21] =	ssyncadd.s32 $0xFFFFC000  }
0x194: {  	[hbm4b:s9+s2] =	stream.linear.scatter [tilespmem:s14], [sflag:$0x9], $0x4000, $0x38;
	[tilespmem:$0x19200] =	vst v63  }
0x195: {  	_ =	swait.ge [sflag:s22], $0x4000  }
0x196: {  	[sflag:s22] =	ssyncset.done $0x0  }
0x197: {  	s5 =	simm.s32 $0xE00;
	[sflag:s22] =	ssyncadd.s32 $0xFFFFC000  }
0x198: {  	[tilespmem:s12], [sflag:$0x1] =	stream.indirect.gather [hbm4b:s0+s11], $0x80, s5, s11, $0xb8;
	[tilespmem:$0x19200] =	vst v63  }
0x199: {  	_ =	swait.ge [sflag:s23], $0x4000  }
0x19a: {  	[sflag:s23] =	ssyncset.done $0x0  }
0x19b: {  	s6 =	rddreg [dreg:$0x1a];
	[sflag:s23] =	ssyncadd.s32 $0xFFFFC000  }
0x19c: {  	[hbm4b:s6+s2] =	stream.linear.scatter [tilespmem:s15], [sflag:$0xA], $0x4000, $0x38;
	[tilespmem:$0x19200] =	vst v63  }
0x19d: {  	_ =	swait.ge [sflag:s24], $0x4000  }
0x19e: {  	[sflag:s24] =	ssyncset.done $0x0  }
0x19f: {  	s7 =	simm.s32 $0xE80;
	[sflag:s24] =	ssyncadd.s32 $0xFFFFC000  }
0x1a0: {  	[tilespmem:s13], [sflag:$0x2] =	stream.indirect.gather [hbm4b:s0+s11], $0x80, s7, s11, $0xb8;
	[tilespmem:$0x19200] =	vst v63  }
0x1a1: {  	_ =	swait.ge [sflag:s25], $0x4000  }
0x1a2: {  	[sflag:s25] =	ssyncset.done $0x0  }
0x1a3: {  	s8 =	rddreg [dreg:$0x1b];
	[sflag:s25] =	ssyncadd.s32 $0xFFFFC000  }
0x1a4: {  	[hbm4b:s8+s2] =	stream.linear.scatter [tilespmem:s18], [sflag:$0xB], $0x4000, $0x38;
	[tilespmem:$0x19200] =	vst v63  }
0x1a5: {  	_ =	swait.ge [sflag:s26], $0x4000  }
0x1a6: {  	[sflag:s26] =	ssyncset.done $0x0  }
0x1a7: {  	s9 =	simm.s32 $0xF00;
	[sflag:s26] =	ssyncadd.s32 $0xFFFFC000  }
0x1a8: {  	[tilespmem:s14], [sflag:$0x3] =	stream.indirect.gather [hbm4b:s0+s11], $0x80, s9, s11, $0xb8;
	[tilespmem:$0x19200] =	vst v63  }
0x1a9: {  	_ =	swait.ge [sflag:s28], $0x4000  }
0x1aa: {  	[sflag:s28] =	ssyncset.done $0x0  }
0x1ab: {  	s5 =	rddreg [dreg:$0x1c];
	[sflag:s28] =	ssyncadd.s32 $0xFFFFC000  }
0x1ac: {  	[hbm4b:s5+s2] =	stream.linear.scatter [tilespmem:s20], [sflag:$0xC], $0x4000, $0x38;
	[tilespmem:$0x19200] =	vst v63  }
0x1ad: {  	_ =	swait.ge [sflag:s29], $0x4000  }
0x1ae: {  	[sflag:s29] =	ssyncset.done $0x0  }
0x1af: {  	s6 =	simm.s32 $0xF80;
	[sflag:s29] =	ssyncadd.s32 $0xFFFFC000  }
0x1b0: {  	[tilespmem:s15], [sflag:$0x4] =	stream.indirect.gather [hbm4b:s0+s11], $0x80, s6, s11, $0xb8;
	[tilespmem:$0x19200] =	vst v63  }
0x1b1: {  	_ =	swait.ge [sflag:s17], $0x4000  }
0x1b2: {  	[sflag:s17] =	ssyncset.done $0x0  }
0x1b3: {  	s7 =	rddreg [dreg:$0x1d];
	[sflag:s17] =	ssyncadd.s32 $0xFFFFC000  }
0x1b4: {  	[hbm4b:s7+s2] =	stream.linear.scatter [tilespmem:s12], [sflag:$0x7], $0x4000, $0x38;
	[tilespmem:$0x19200] =	vst v63  }
0x1b5: {  	_ =	swait.ge [sflag:s30], $0x4000  }
0x1b6: {  	[sflag:s30] =	ssyncset.done $0x0  }
0x1b7: {  	s8 =	simm.s32 $0x1000;
	[sflag:s30] =	ssyncadd.s32 $0xFFFFC000  }
0x1b8: {  	[tilespmem:s18], [sflag:$0x5] =	stream.indirect.gather [hbm4b:s0+s11], $0x80, s8, s11, $0xb8;
	[tilespmem:$0x19200] =	vst v63  }
0x1b9: {  	_ =	swait.ge [sflag:s19], $0x4000  }
0x1ba: {  	[sflag:s19] =	ssyncset.done $0x0  }
0x1bb: {  	s9 =	rddreg [dreg:$0x1e];
	[sflag:s19] =	ssyncadd.s32 $0xFFFFC000  }
0x1bc: {  	[hbm4b:s9+s2] =	stream.linear.scatter [tilespmem:s13], [sflag:$0x8], $0x4000, $0x38;
	[tilespmem:$0x19200] =	vst v63  }
0x1bd: {  	_ =	swait.ge [sflag:s31], $0x4000  }
0x1be: {  	[sflag:s31] =	ssyncset.done $0x0  }
0x1bf: {  	s5 =	simm.s32 $0x1080;
	[sflag:s31] =	ssyncadd.s32 $0xFFFFC000  }
0x1c0: {  	[tilespmem:s20], [sflag:$0x6] =	stream.indirect.gather [hbm4b:s0+s11], $0x80, s5, s11, $0xb8;
	[tilespmem:$0x19200] =	vst v63  }
0x1c1: {  	_ =	swait.ge [sflag:s21], $0x4000  }
0x1c2: {  	[sflag:s21] =	ssyncset.done $0x0  }
0x1c3: {  	s6 =	rddreg [dreg:$0x1f];
	[sflag:s21] =	ssyncadd.s32 $0xFFFFC000  }
0x1c4: {  	[hbm4b:s6+s2] =	stream.linear.scatter [tilespmem:s14], [sflag:$0x9], $0x4000, $0x38;
	[tilespmem:$0x19200] =	vst v63  }
0x1c5: {  	_ =	swait.ge [sflag:s22], $0x4000  }
0x1c6: {  	[sflag:s22] =	ssyncset.done $0x0  }
0x1c7: {  	s7 =	simm.s32 $0x1100;
	[sflag:s22] =	ssyncadd.s32 $0xFFFFC000  }
0x1c8: {  	[tilespmem:s12], [sflag:$0x1] =	stream.indirect.gather [hbm4b:s0+s11], $0x80, s7, s11, $0xb8;
	[tilespmem:$0x19200] =	vst v63  }
0x1c9: {  	_ =	swait.ge [sflag:s23], $0x4000  }
0x1ca: {  	s8 =	sld [smem:$0x7F9]  }
0x1cb: {  	[sflag:s23] =	ssyncset.done $0x0  }
0x1cc: {  	[sflag:s23] =	ssyncadd.s32 $0xFFFFC000  }
0x1cd: {  	[hbm4b:s8+s2] =	stream.linear.scatter [tilespmem:s15], [sflag:$0xA], $0x4000, $0x38;
	[tilespmem:$0x19200] =	vst v63  }
0x1ce: {  	_ =	swait.ge [sflag:s24], $0x4000  }
0x1cf: {  	[sflag:s24] =	ssyncset.done $0x0  }
0x1d0: {  	s9 =	simm.s32 $0x1180;
	[sflag:s24] =	ssyncadd.s32 $0xFFFFC000  }
0x1d1: {  	[tilespmem:s13], [sflag:$0x2] =	stream.indirect.gather [hbm4b:s0+s11], $0x80, s9, s11, $0xb8;
	[tilespmem:$0x19200] =	vst v63  }
0x1d2: {  	_ =	swait.ge [sflag:s25], $0x4000  }
0x1d3: {  	s5 =	sld [smem:$0x7FA]  }
0x1d4: {  	[sflag:s25] =	ssyncset.done $0x0  }
0x1d5: {  	[sflag:s25] =	ssyncadd.s32 $0xFFFFC000  }
0x1d6: {  	[hbm4b:s5+s2] =	stream.linear.scatter [tilespmem:s18], [sflag:$0xB], $0x4000, $0x38;
	[tilespmem:$0x19200] =	vst v63  }
0x1d7: {  	_ =	swait.ge [sflag:s28], $0x4000  }
0x1d8: {  	s6 =	sld [smem:$0x7FB]  }
0x1d9: {  	[sflag:s28] =	ssyncset.done $0x0  }
0x1da: {  	[sflag:s28] =	ssyncadd.s32 $0xFFFFC000  }
0x1db: {  	[hbm4b:s6+s2] =	stream.linear.scatter [tilespmem:s20], [sflag:$0xC], $0x4000, $0x38;
	[tilespmem:$0x19200] =	vst v63  }
0x1dc: {  	_ =	swait.ge [sflag:s17], $0x4000  }
0x1dd: {  	s7 =	sld [smem:$0x7FC]  }
0x1de: {  	[sflag:s17] =	ssyncset.done $0x0  }
0x1df: {  	[sflag:s17] =	ssyncadd.s32 $0xFFFFC000  }
0x1e0: {  	[hbm4b:s7+s2] =	stream.linear.scatter [tilespmem:s12], [sflag:$0x7], $0x4000, $0x38;
	[tilespmem:$0x19200] =	vst v63  }
0x1e1: {  	_ =	swait.ge [sflag:s19], $0x4000  }
0x1e2: {  	s8 =	sld [smem:$0x7FD]  }
0x1e3: {  	[sflag:s19] =	ssyncset.done $0x0  }
0x1e4: {  	[sflag:s19] =	ssyncadd.s32 $0xFFFFC000  }
0x1e5: {  	[hbm4b:s8+s2] =	stream.linear.scatter [tilespmem:s13], [sflag:$0x8], $0x4000, $0x38;
	[tilespmem:$0x19200] =	vst v63  }
0x1e6: {  	_ =	swait.ge [sflag:s26], $0x4000  }
0x1e7: {  	[sflag:s26] =	ssyncset.done $0x0  }
0x1e8: {  	[sflag:s26] =	ssyncadd.s32 $0xFFFFC000  }
0x1e9: {  	_ =	swait.ge [sflag:s29], $0x4000  }
0x1ea: {  	[sflag:s29] =	ssyncset.done $0x0  }
0x1eb: {  	[sflag:s29] =	ssyncadd.s32 $0xFFFFC000  }
0x1ec: {  	_ =	swait.ge [sflag:s30], $0x4000  }
0x1ed: {  	[sflag:s30] =	ssyncset.done $0x0  }
0x1ee: {  	[sflag:s30] =	ssyncadd.s32 $0xFFFFC000  }
0x1ef: {  	_ =	swait.ge [sflag:s31], $0x4000  }
0x1f0: {  	[sflag:s31] =	ssyncset.done $0x0  }
0x1f1: {  	[sflag:s31] =	ssyncadd.s32 $0xFFFFC000  }
0x1f2: {  	_ =	swait.ge [sflag:s22], $0x4000  }
0x1f3: {  	[sflag:s22] =	ssyncset.done $0x0  }
0x1f4: {  	[sflag:s22] =	ssyncadd.s32 $0xFFFFC000  }
0x1f5: {  	_ =	swait.ge [sflag:s24], $0x4000  }
0x1f6: {  	s1 =	sadd.s32 $0x1, s1;
	s9 =	rddreg [dreg:$0x18]  }
0x1f7: {  	p0 =	sne.s32 s1, s9  }
.Ltmp1:
0x1f8: {  	_ = 	snop;
	(pc) =	sbr.rel @p0 .LBB2_1-.Ltmp1, $3  }
0x1f9: {  	_ =	sdelay $0x1  }
0x1fa: {  	[sflag:s24] =	ssyncset.done $0x0  }
0x1fb: {  	[sflag:s24] =	ssyncadd.s32 $0xFFFFC000  }
0x1fc: {  	_ =	sfence.sel $0x180000  }
0x1fd: {  	[bflag:$0x0] =	sbarrier.arrive $0xFFFF  }
0x1fe: {  	_ =	strace $0x90000047  }
0x1ff: {  	s0 =	stileid.u32;
	[bflag:$0x2] =	sbarrier.arrive $0xFFFF  }
0x200: {  	p0 =	sne.s32 s0, $0x0;
	s0 =	rddreg [dreg:$0x3]  }
0x201: {  	s0 =	sadd.s32 @!p0 $0x100000, s0  }
0x202: {  	[sflag:s0] =	ssyncadd.tile.s32 @!p0 $0x1;
	_ =	shalt  }
.Lfunc_end2:
_tile_overlayer_lowered:
.L_overlay_start_2:
0x203: {  	(tag) =	ssettag $0x2  }
0x204: {  	s0 =	rddreg [dreg:$0x0];
	s2 =	stileid.u32  }
0x205: {  	s1 =	rddreg [dreg:$0x1];
	p0 =	sne.s32 s2, $0x0  }
0x206: {  	s3 =	rddreg [dreg:$0x2];
	[bflag:$0x3] =	sbarrier.arrive $0xFFFF;
	s2 =	simm.s32 @!p0 $0x1C0D  }
0x207: {  	[timem:s3], [sflag:s2] =	dma.local @!p0 [hbm:s0], s1  }
0x208: {  	s0 =	simm.s32 @!p0 $0xD  }
0x209: {  	_ =	swait.ge @!p0 [sflag:s0], s1  }
0x20a: {  	s1 =	ssub.s32 @!p0 $0x0, s1;
	[sflag:s0] =	ssyncset.done @!p0 $0x0  }
0x20b: {  	[sflag:s0] =	ssyncadd.s32 @!p0 s1  }
0x20c: {  	[bflag:$0x3] =	sbarrier.arrive $0xFFFF  }
0x20d: {  	_ =	shalt  }

</sc_bundles>
